<compile_context>
chip_gen: v7x
topology: tpu7x:2x2x1
jax: 0.10.2.dev20260603
libtpu: 0.0.44.dev20260713+nightly
codegen_flags: <defaults>
</compile_context>

<pallas_src>
import functools

import jax
import jax.numpy as jnp
from jax import lax
from jax.experimental import pallas as pl
from jax.experimental.pallas import tpu as pltpu
from jax.experimental.pallas import tpu_sc as plsc

N = 10000
E = 320000
D = 128

NC = 2
NS = 16
TILES = NC * NS

CHUNK = 128
CPT = 80
NCHUNKS = CPT * TILES
E_PAD = NCHUNKS * CHUNK
HALF = CPT // 2
N_PAD = 10240
ROWS_PT = N_PAD // NS

BN = 640


def _prep_body(wm_ref, wr_ref, wu_ref, bm_ref, br_ref, bu_ref, wcat_ref, bcat_ref):
    wu1 = wu_ref[:D, :]
    f32 = jnp.float32
    wcat_ref[:, 0 * D:1 * D] = jnp.dot(wm_ref[:D, :], wu1, preferred_element_type=f32)
    wcat_ref[:, 1 * D:2 * D] = jnp.dot(wr_ref[:D, :], wu1, preferred_element_type=f32)
    wcat_ref[:, 2 * D:3 * D] = jnp.dot(wm_ref[D:, :], wu1, preferred_element_type=f32)
    wcat_ref[:, 3 * D:4 * D] = jnp.dot(wr_ref[D:, :], wu1, preferred_element_type=f32)
    wcat_ref[:, 4 * D:5 * D] = wu_ref[D:, :]
    bcat_ref[:, 0 * D:2 * D] = jnp.zeros((1, 2 * D), f32)
    bcat_ref[:, 2 * D:3 * D] = jnp.dot(bm_ref[...], wu1, preferred_element_type=f32)
    bcat_ref[:, 3 * D:4 * D] = jnp.dot(br_ref[...], wu1, preferred_element_type=f32)
    bcat_ref[:, 4 * D:5 * D] = bu_ref[...]


_prep = pl.pallas_call(
    _prep_body,
    out_shape=(
        jax.ShapeDtypeStruct((D, 5 * D), jnp.float32),
        jax.ShapeDtypeStruct((1, 5 * D), jnp.float32),
    ),
)


def _proj_body(x_ref, w_ref, b_ref, a_ref, c_ref, bt_ref, dt_ref, u_ref):
    p = jnp.dot(x_ref[...], w_ref[...], preferred_element_type=jnp.float32) + b_ref[...]
    a_ref[...] = p[:, 0 * D:1 * D]
    c_ref[...] = p[:, 1 * D:2 * D]
    bt_ref[...] = p[:, 2 * D:3 * D]
    dt_ref[...] = p[:, 3 * D:4 * D]
    u_ref[...] = p[:, 4 * D:5 * D]


_proj = pl.pallas_call(
    _proj_body,
    grid=(N_PAD // BN,),
    in_specs=[
        pl.BlockSpec((BN, D), lambda i: (i, 0)),
        pl.BlockSpec((D, 5 * D), lambda i: (0, 0)),
        pl.BlockSpec((1, 5 * D), lambda i: (0, 0)),
    ],
    out_specs=[pl.BlockSpec((BN, D), lambda i: (i, 0)) for _ in range(5)],
    out_shape=[jax.ShapeDtypeStruct((N_PAD, D), jnp.float32) for _ in range(5)],
)


def _sc_body(a_hbm, c_hbm, fidx_hbm, tidx_hbm, z2_hbm, z1_hbm,
             s_out, deg_out,
             fblk_v, tblk_v, rows0_v, rows1_v, ones_v,
             acc_sp, indeg_sp, outdeg_sp, semf, semr):
    cid = lax.axis_index("c")
    sid = lax.axis_index("s")
    wid = cid * NS + sid
    row0 = sid * ROWS_PT

    pltpu.sync_copy(z2_hbm.at[pl.ds(row0, ROWS_PT)], acc_sp.at[pl.ds(row0, ROWS_PT)])
    pltpu.sync_copy(z1_hbm.at[pl.ds(row0, ROWS_PT)], indeg_sp.at[pl.ds(row0, ROWS_PT)])
    pltpu.sync_copy(z1_hbm.at[pl.ds(row0, ROWS_PT)], outdeg_sp.at[pl.ds(row0, ROWS_PT)])
    for j in range(CHUNK // 16):
        ones_v[pl.ds(j * 16, 16)] = jnp.ones((16,), jnp.float32)
    plsc.subcore_barrier()

    c0 = wid * CPT

    for h in range(2):
        r0 = (c0 + h * HALF) * CHUNK
        pltpu.sync_copy(fidx_hbm.at[pl.ds(r0, HALF * CHUNK)], fblk_v)
        pltpu.sync_copy(tidx_hbm.at[pl.ds(r0, HALF * CHUNK)], tblk_v)
        pltpu.async_copy(a_hbm.at[fblk_v.at[pl.ds(0, CHUNK)]], rows0_v, semf)
        pltpu.async_copy(c_hbm.at[tblk_v.at[pl.ds(0, CHUNK)]], rows1_v, semr)

        def body(g, carry):
            fcur = fblk_v.at[pl.ds(g * CHUNK, CHUNK)]
            tcur = tblk_v.at[pl.ds(g * CHUNK, CHUNK)]
            pltpu.make_async_copy(a_hbm.at[fcur], rows0_v, semf).wait()
            pltpu.sync_copy(rows0_v, acc_sp.at[tcur], add=True)
            pltpu.sync_copy(ones_v, indeg_sp.at[tcur], add=True)

            @pl.when(g + 1 < HALF)
            def _nxtf():
                pltpu.async_copy(a_hbm.at[fblk_v.at[pl.ds((g + 1) * CHUNK, CHUNK)]],
                                 rows0_v, semf)

            pltpu.make_async_copy(c_hbm.at[tcur], rows1_v, semr).wait()
            pltpu.sync_copy(rows1_v, acc_sp.at[fcur], add=True)
            pltpu.sync_copy(ones_v, outdeg_sp.at[fcur], add=True)

            @pl.when(g + 1 < HALF)
            def _nxtr():
                pltpu.async_copy(c_hbm.at[tblk_v.at[pl.ds((g + 1) * CHUNK, CHUNK)]],
                                 rows1_v, semr)

            return carry

        lax.fori_loop(0, HALF, body, 0)

    plsc.subcore_barrier()

    pltpu.sync_copy(acc_sp.at[pl.ds(row0, ROWS_PT)], s_out.at[cid, pl.ds(row0, ROWS_PT)])
    pltpu.sync_copy(indeg_sp.at[pl.ds(row0, ROWS_PT)], deg_out.at[cid, 0, pl.ds(row0, ROWS_PT)])
    pltpu.sync_copy(outdeg_sp.at[pl.ds(row0, ROWS_PT)], deg_out.at[cid, 1, pl.ds(row0, ROWS_PT)])


_sc_scatter = functools.partial(
    pl.kernel,
    out_type=(
        jax.ShapeDtypeStruct((NC, N_PAD, D), jnp.float32),
        jax.ShapeDtypeStruct((NC, 2, N_PAD), jnp.float32),
    ),
    mesh=plsc.VectorSubcoreMesh(core_axis_name="c", subcore_axis_name="s"),
    scratch_types=[
        pltpu.VMEM((HALF * CHUNK,), jnp.int32),
        pltpu.VMEM((HALF * CHUNK,), jnp.int32),
        pltpu.VMEM((CHUNK, D), jnp.float32),
        pltpu.VMEM((CHUNK, D), jnp.float32),
        pltpu.VMEM((CHUNK,), jnp.float32),
        pltpu.VMEM_SHARED((N_PAD, D), jnp.float32),
        pltpu.VMEM_SHARED((N_PAD,), jnp.float32),
        pltpu.VMEM_SHARED((N_PAD,), jnp.float32),
        pltpu.SemaphoreType.DMA,
        pltpu.SemaphoreType.DMA,
    ],
)(_sc_body)


def _comb_body(s0_ref, s1_ref, u_ref, bt_ref, dt_ref, di_ref, do_ref, o_ref):
    o_ref[...] = (s0_ref[...] + s1_ref[...] + u_ref[...]
                  + di_ref[...] * bt_ref[...] + do_ref[...] * dt_ref[...])


_combine = pl.pallas_call(
    _comb_body,
    grid=(N_PAD // BN,),
    in_specs=[pl.BlockSpec((BN, D), lambda i: (i, 0)) for _ in range(5)]
    + [pl.BlockSpec((BN, 1), lambda i: (i, 0)) for _ in range(2)],
    out_specs=pl.BlockSpec((BN, D), lambda i: (i, 0)),
    out_shape=jax.ShapeDtypeStruct((N_PAD, D), jnp.float32),
)


def kernel(node_states, from_idx, to_idx, W_msg, b_msg, W_rmsg, b_rmsg, W_upd, b_upd):
    wcat, bcat = _prep(W_msg, W_rmsg, W_upd,
                       b_msg.reshape(1, D), b_rmsg.reshape(1, D), b_upd.reshape(1, D))
    ns_pad = jnp.pad(node_states, ((0, N_PAD - N), (0, 0)))
    a, c, bt, dt, u = _proj(ns_pad, wcat, bcat)
    idx_pad = N + (jnp.arange(E_PAD - E, dtype=jnp.int32) % (N_PAD - N))
    fi = jnp.concatenate([from_idx, idx_pad])
    ti = jnp.concatenate([to_idx, idx_pad])
    z2 = jnp.zeros((N_PAD, D), jnp.float32)
    z1 = jnp.zeros((N_PAD,), jnp.float32)
    s, degs = _sc_scatter(a, c, fi, ti, z2, z1)
    indeg = (degs[0, 0] + degs[1, 0]).reshape(N_PAD, 1)
    outdeg = (degs[0, 1] + degs[1, 1]).reshape(N_PAD, 1)
    return _combine(s[0], s[1], u, bt, dt, indeg, outdeg)[:N]

# --- scband reference (transcript-rebuilt; emitter-appended) ---
"""Pipeline reference for scband-graph-prop-layer-9320079033255 (READ-ONLY COPY).

The authoritative reference and input builder live on the scoring server;
editing this copy changes nothing except your own understanding.
"""

import jax, jax.numpy as jnp
import numpy as np

N = 10000
E = 320000
D = 128

def setup_inputs(seed: int = 0) -> dict:
    key = jax.random.key(seed)
    ks = jax.random.split(key, 10)
    s = 0.1  # edge_net_init_scale
    return {
        "node_states": jax.random.normal(ks[0], (N, D), dtype=jnp.float32),
        "from_idx": jax.random.randint(ks[1], (E,), 0, N, dtype=jnp.int32),
        "to_idx": jax.random.randint(ks[2], (E,), 0, N, dtype=jnp.int32),
        # forward-direction message net: single Linear(2*D -> D) since edge_hidden_sizes=[128]
        "W_msg": jax.random.normal(ks[3], (2 * D, D), dtype=jnp.float32) * s,
        "b_msg": jnp.zeros((D,), dtype=jnp.float32),
        # reverse-direction message net (separate params, reverse_dir_param_different=True)
        "W_rmsg": jax.random.normal(ks[4], (2 * D, D), dtype=jnp.float32) * s,
        "b_rmsg": jnp.zeros((D,), dtype=jnp.float32),
        # node-update MLP: single Linear(node_hidden[0]+msg_dim = 256 -> 128), node_update_type='mlp'
        "W_upd": jax.random.normal(ks[5], (2 * D, D), dtype=jnp.float32) * (1.0 / np.sqrt(2 * D)),
        "b_upd": jnp.zeros((D,), dtype=jnp.float32),
    }

def reference(node_states, from_idx, to_idx, W_msg, b_msg, W_rmsg, b_rmsg, W_upd, b_upd):
    n_nodes = node_states.shape[0]
    # graph_prop_once, forward direction
    from_states = jnp.take(node_states, from_idx, axis=0)
    to_states = jnp.take(node_states, to_idx, axis=0)
    edge_inputs = jnp.concatenate([from_states, to_states], axis=-1)
    messages = edge_inputs @ W_msg + b_msg
    aggregated = jax.ops.segment_sum(messages, to_idx, num_segments=n_nodes)
    # graph_prop_once, reverse direction (swap from/to)
    r_edge_inputs = jnp.concatenate([to_states, from_states], axis=-1)
    r_messages = r_edge_inputs @ W_rmsg + b_rmsg
    aggregated = aggregated + jax.ops.segment_sum(r_messages, from_idx, num_segments=n_nodes)
    # _compute_node_update with node_update_type='mlp': cat([agg_messages, node_states]) -> MLP
    update_inputs = jnp.concatenate([aggregated, node_states], axis=-1)
    new_node_states = update_inputs @ W_upd + b_upd
    return new_node_states

if __name__ == "__main__":
    import jax
    _d = setup_inputs()
    print(jax.jit(kernel)(*tuple(_d.values())))

</pallas_src>

<mosaic_0001>
#map = affine_map<(d0, d1) -> (0, 0)>
#map1 = affine_map<(d0, d1) -> (0)>
#map2 = affine_map<(d0, d1) -> (0, 0, 0)>
module attributes {stable_mosaic.version = 14 : i64} {
  func.func @_sc_body(%arg0: i32, %arg1: i32, %arg2: memref<10240x128xf32, #tpu.memory_space<hbm>>, %arg3: memref<10240x128xf32, #tpu.memory_space<hbm>>, %arg4: memref<327680xi32, #tpu.memory_space<hbm>>, %arg5: memref<327680xi32, #tpu.memory_space<hbm>>, %arg6: memref<10240x128xf32, #tpu.memory_space<hbm>>, %arg7: memref<10240xf32, #tpu.memory_space<hbm>>, %arg8: memref<2x10240x128xf32, #tpu.memory_space<hbm>>, %arg9: memref<2x2x10240xf32, #tpu.memory_space<hbm>>, %arg10: memref<5120xi32, #tpu.memory_space<vmem>>, %arg11: memref<5120xi32, #tpu.memory_space<vmem>>, %arg12: memref<128x128xf32, #tpu.memory_space<vmem>>, %arg13: memref<128x128xf32, #tpu.memory_space<vmem>>, %arg14: memref<128xf32, #tpu.memory_space<vmem>>, %arg15: memref<10240x128xf32, #tpu.memory_space<vmem_shared>>, %arg16: memref<10240xf32, #tpu.memory_space<vmem_shared>>, %arg17: memref<10240xf32, #tpu.memory_space<vmem_shared>>, %arg18: memref<!tpu.dma_semaphore, #tpu.memory_space<semaphore_mem>>, %arg19: memref<!tpu.dma_semaphore, #tpu.memory_space<semaphore_mem>>) attributes {dimension_semantics = [#tpu.dimension_semantics<core_parallel>, #tpu.dimension_semantics<subcore_parallel>], iteration_bounds = array<i64: 2, 16>, scalar_prefetch = 0 : i64, scratch_operands = 10 : i64, tpu.core_type = #tpu.core_type<sc_vector_subcore>, window_params = [{transform_indices = #map}, {transform_indices = #map}, {transform_indices = #map1}, {transform_indices = #map1}, {transform_indices = #map}, {transform_indices = #map1}, {transform_indices = #map2}, {transform_indices = #map2}]} {
    %mul3A = arith.constant 16 : i32
    %mul3A_0 = arith.muli %arg0, %mul3A : i32
    %add3A = arith.addi %mul3A_0, %arg1 : i32
    %mul3A_1 = arith.constant 640 : i32
    %mul3A_2 = arith.muli %arg1, %mul3A_1 : i32
    "tpu.region"() ({
      %run_scoped3A_91 = tpu.sem_alloc : memref<!tpu.dma_semaphore, #tpu.memory_space<semaphore_mem>>
      %dma_start3A_92 = arith.constant 0 : i32
      %dma_start3A_93 = tpu.memref_slice %arg15[%mul3A_2, %dma_start3A_92] : memref<10240x128xf32, #tpu.memory_space<vmem_shared>> -> memref<640x128xf32, #tpu.memory_space<vmem_shared>>
      %dma_start3A_94 = arith.constant 0 : i32
      %dma_start3A_95 = tpu.memref_slice %arg6[%mul3A_2, %dma_start3A_94] : memref<10240x128xf32, #tpu.memory_space<hbm>> -> memref<640x128xf32, #tpu.memory_space<hbm>>
      tpu.enqueue_dma source(%dma_start3A_95 : memref<640x128xf32, #tpu.memory_space<hbm>>) target(%dma_start3A_93 : memref<640x128xf32, #tpu.memory_space<vmem_shared>>) target_semaphore(%run_scoped3A_91 : memref<!tpu.dma_semaphore, #tpu.memory_space<semaphore_mem>>)
      %dma_wait3A = arith.constant 0 : i32
      %dma_wait3A_96 = tpu.memref_slice %arg15[%mul3A_2, %dma_wait3A] : memref<10240x128xf32, #tpu.memory_space<vmem_shared>> -> memref<640x128xf32, #tpu.memory_space<vmem_shared>>
      %dma_wait3A_97 = arith.constant 0 : i32
      %dma_wait3A_98 = tpu.memref_slice %arg6[%mul3A_2, %dma_wait3A_97] : memref<10240x128xf32, #tpu.memory_space<hbm>> -> memref<640x128xf32, #tpu.memory_space<hbm>>
      tpu.wait_dma2 semaphore(%run_scoped3A_91 : memref<!tpu.dma_semaphore, #tpu.memory_space<semaphore_mem>>) src(%dma_wait3A_98 : memref<640x128xf32, #tpu.memory_space<hbm>>) dst(%dma_wait3A_96 : memref<640x128xf32, #tpu.memory_space<vmem_shared>>)
      tpu.yield
    }) : () -> ()
    "tpu.region"() ({
      %run_scoped3A_91 = tpu.sem_alloc : memref<!tpu.dma_semaphore, #tpu.memory_space<semaphore_mem>>
      %dma_start3A_92 = tpu.memref_slice %arg16[%mul3A_2] : memref<10240xf32, #tpu.memory_space<vmem_shared>> -> memref<640xf32, #tpu.memory_space<vmem_shared>>
      %dma_start3A_93 = tpu.memref_slice %arg7[%mul3A_2] : memref<10240xf32, #tpu.memory_space<hbm>> -> memref<640xf32, #tpu.memory_space<hbm>>
      tpu.enqueue_dma source(%dma_start3A_93 : memref<640xf32, #tpu.memory_space<hbm>>) target(%dma_start3A_92 : memref<640xf32, #tpu.memory_space<vmem_shared>>) target_semaphore(%run_scoped3A_91 : memref<!tpu.dma_semaphore, #tpu.memory_space<semaphore_mem>>)
      %dma_wait3A = tpu.memref_slice %arg16[%mul3A_2] : memref<10240xf32, #tpu.memory_space<vmem_shared>> -> memref<640xf32, #tpu.memory_space<vmem_shared>>
      %dma_wait3A_94 = tpu.memref_slice %arg7[%mul3A_2] : memref<10240xf32, #tpu.memory_space<hbm>> -> memref<640xf32, #tpu.memory_space<hbm>>
      tpu.wait_dma2 semaphore(%run_scoped3A_91 : memref<!tpu.dma_semaphore, #tpu.memory_space<semaphore_mem>>) src(%dma_wait3A_94 : memref<640xf32, #tpu.memory_space<hbm>>) dst(%dma_wait3A : memref<640xf32, #tpu.memory_space<vmem_shared>>)
      tpu.yield
    }) : () -> ()
    "tpu.region"() ({
      %run_scoped3A_91 = tpu.sem_alloc : memref<!tpu.dma_semaphore, #tpu.memory_space<semaphore_mem>>
      %dma_start3A_92 = tpu.memref_slice %arg17[%mul3A_2] : memref<10240xf32, #tpu.memory_space<vmem_shared>> -> memref<640xf32, #tpu.memory_space<vmem_shared>>
      %dma_start3A_93 = tpu.memref_slice %arg7[%mul3A_2] : memref<10240xf32, #tpu.memory_space<hbm>> -> memref<640xf32, #tpu.memory_space<hbm>>
      tpu.enqueue_dma source(%dma_start3A_93 : memref<640xf32, #tpu.memory_space<hbm>>) target(%dma_start3A_92 : memref<640xf32, #tpu.memory_space<vmem_shared>>) target_semaphore(%run_scoped3A_91 : memref<!tpu.dma_semaphore, #tpu.memory_space<semaphore_mem>>)
      %dma_wait3A = tpu.memref_slice %arg17[%mul3A_2] : memref<10240xf32, #tpu.memory_space<vmem_shared>> -> memref<640xf32, #tpu.memory_space<vmem_shared>>
      %dma_wait3A_94 = tpu.memref_slice %arg7[%mul3A_2] : memref<10240xf32, #tpu.memory_space<hbm>> -> memref<640xf32, #tpu.memory_space<hbm>>
      tpu.wait_dma2 semaphore(%run_scoped3A_91 : memref<!tpu.dma_semaphore, #tpu.memory_space<semaphore_mem>>) src(%dma_wait3A_94 : memref<640xf32, #tpu.memory_space<hbm>>) dst(%dma_wait3A : memref<640xf32, #tpu.memory_space<vmem_shared>>)
      tpu.yield
    }) : () -> ()
    %broadcast_in_dim3A = arith.constant 1.000000e+00 : f32
    %broadcast_in_dim3A_3 = vector.broadcast %broadcast_in_dim3A : f32 to vector<16xf32>
    %swap3A = arith.constant 0 : index
    %swap3A_4 = tpu.vector_load %arg14[%swap3A] {strides = array<i32>} : memref<128xf32, #tpu.memory_space<vmem>>, vector<16xf32>,
    %swap3A_5 = vector.shape_cast %swap3A_4 : vector<16xf32> to vector<16xf32>
    %swap3A_6 = vector.shape_cast %broadcast_in_dim3A_3 : vector<16xf32> to vector<16xf32>
    tpu.vector_store %arg14[%swap3A], %swap3A_6 {strides = array<i32>} : memref<128xf32, #tpu.memory_space<vmem>>, vector<16xf32>,
    %broadcast_in_dim3A_7 = arith.constant 1.000000e+00 : f32
    %broadcast_in_dim3A_8 = vector.broadcast %broadcast_in_dim3A_7 : f32 to vector<16xf32>
    %swap3A_9 = arith.constant 16 : index
    %swap3A_10 = tpu.vector_load %arg14[%swap3A_9] {strides = array<i32>} : memref<128xf32, #tpu.memory_space<vmem>>, vector<16xf32>,
    %swap3A_11 = vector.shape_cast %swap3A_10 : vector<16xf32> to vector<16xf32>
    %swap3A_12 = vector.shape_cast %broadcast_in_dim3A_8 : vector<16xf32> to vector<16xf32>
    tpu.vector_store %arg14[%swap3A_9], %swap3A_12 {strides = array<i32>} : memref<128xf32, #tpu.memory_space<vmem>>, vector<16xf32>,
    %broadcast_in_dim3A_13 = arith.constant 1.000000e+00 : f32
    %broadcast_in_dim3A_14 = vector.broadcast %broadcast_in_dim3A_13 : f32 to vector<16xf32>
    %swap3A_15 = arith.constant 32 : index
    %swap3A_16 = tpu.vector_load %arg14[%swap3A_15] {strides = array<i32>} : memref<128xf32, #tpu.memory_space<vmem>>, vector<16xf32>,
    %swap3A_17 = vector.shape_cast %swap3A_16 : vector<16xf32> to vector<16xf32>
    %swap3A_18 = vector.shape_cast %broadcast_in_dim3A_14 : vector<16xf32> to vector<16xf32>
    tpu.vector_store %arg14[%swap3A_15], %swap3A_18 {strides = array<i32>} : memref<128xf32, #tpu.memory_space<vmem>>, vector<16xf32>,
    %broadcast_in_dim3A_19 = arith.constant 1.000000e+00 : f32
    %broadcast_in_dim3A_20 = vector.broadcast %broadcast_in_dim3A_19 : f32 to vector<16xf32>
    %swap3A_21 = arith.constant 48 : index
    %swap3A_22 = tpu.vector_load %arg14[%swap3A_21] {strides = array<i32>} : memref<128xf32, #tpu.memory_space<vmem>>, vector<16xf32>,
    %swap3A_23 = vector.shape_cast %swap3A_22 : vector<16xf32> to vector<16xf32>
    %swap3A_24 = vector.shape_cast %broadcast_in_dim3A_20 : vector<16xf32> to vector<16xf32>
    tpu.vector_store %arg14[%swap3A_21], %swap3A_24 {strides = array<i32>} : memref<128xf32, #tpu.memory_space<vmem>>, vector<16xf32>,
    %broadcast_in_dim3A_25 = arith.constant 1.000000e+00 : f32
    %broadcast_in_dim3A_26 = vector.broadcast %broadcast_in_dim3A_25 : f32 to vector<16xf32>
    %swap3A_27 = arith.constant 64 : index
    %swap3A_28 = tpu.vector_load %arg14[%swap3A_27] {strides = array<i32>} : memref<128xf32, #tpu.memory_space<vmem>>, vector<16xf32>,
    %swap3A_29 = vector.shape_cast %swap3A_28 : vector<16xf32> to vector<16xf32>
    %swap3A_30 = vector.shape_cast %broadcast_in_dim3A_26 : vector<16xf32> to vector<16xf32>
    tpu.vector_store %arg14[%swap3A_27], %swap3A_30 {strides = array<i32>} : memref<128xf32, #tpu.memory_space<vmem>>, vector<16xf32>,
    %broadcast_in_dim3A_31 = arith.constant 1.000000e+00 : f32
    %broadcast_in_dim3A_32 = vector.broadcast %broadcast_in_dim3A_31 : f32 to vector<16xf32>
    %swap3A_33 = arith.constant 80 : index
    %swap3A_34 = tpu.vector_load %arg14[%swap3A_33] {strides = array<i32>} : memref<128xf32, #tpu.memory_space<vmem>>, vector<16xf32>,
    %swap3A_35 = vector.shape_cast %swap3A_34 : vector<16xf32> to vector<16xf32>
    %swap3A_36 = vector.shape_cast %broadcast_in_dim3A_32 : vector<16xf32> to vector<16xf32>
    tpu.vector_store %arg14[%swap3A_33], %swap3A_36 {strides = array<i32>} : memref<128xf32, #tpu.memory_space<vmem>>, vector<16xf32>,
    %broadcast_in_dim3A_37 = arith.constant 1.000000e+00 : f32
    %broadcast_in_dim3A_38 = vector.broadcast %broadcast_in_dim3A_37 : f32 to vector<16xf32>
    %swap3A_39 = arith.constant 96 : index
    %swap3A_40 = tpu.vector_load %arg14[%swap3A_39] {strides = array<i32>} : memref<128xf32, #tpu.memory_space<vmem>>, vector<16xf32>,
    %swap3A_41 = vector.shape_cast %swap3A_40 : vector<16xf32> to vector<16xf32>
    %swap3A_42 = vector.shape_cast %broadcast_in_dim3A_38 : vector<16xf32> to vector<16xf32>
    tpu.vector_store %arg14[%swap3A_39], %swap3A_42 {strides = array<i32>} : memref<128xf32, #tpu.memory_space<vmem>>, vector<16xf32>,
    %broadcast_in_dim3A_43 = arith.constant 1.000000e+00 : f32
    %broadcast_in_dim3A_44 = vector.broadcast %broadcast_in_dim3A_43 : f32 to vector<16xf32>
    %swap3A_45 = arith.constant 112 : index
    %swap3A_46 = tpu.vector_load %arg14[%swap3A_45] {strides = array<i32>} : memref<128xf32, #tpu.memory_space<vmem>>, vector<16xf32>,
    %swap3A_47 = vector.shape_cast %swap3A_46 : vector<16xf32> to vector<16xf32>
    %swap3A_48 = vector.shape_cast %broadcast_in_dim3A_44 : vector<16xf32> to vector<16xf32>
    tpu.vector_store %arg14[%swap3A_45], %swap3A_48 {strides = array<i32>} : memref<128xf32, #tpu.memory_space<vmem>>, vector<16xf32>,
    %barrier3A = arith.constant 0 : index
    tpu.barrier barrier_id(%barrier3A)
    %mul3A_49 = arith.constant 80 : i32
    %mul3A_50 = arith.muli %add3A, %mul3A_49 : i32
    %add3A_51 = arith.constant 0 : i32
    %add3A_52 = arith.addi %mul3A_50, %add3A_51 : i32
    %mul3A_53 = arith.constant 128 : i32
    %mul3A_54 = arith.muli %add3A_52, %mul3A_53 : i32
    "tpu.region"() ({
      %run_scoped3A_91 = tpu.sem_alloc : memref<!tpu.dma_semaphore, #tpu.memory_space<semaphore_mem>>
      %dma_start3A_92 = tpu.memref_slice %arg4[%mul3A_54] : memref<327680xi32, #tpu.memory_space<hbm>> -> memref<5120xi32, #tpu.memory_space<hbm>>
      %dma_start3A_93 = tpu.memref_slice %arg4[%mul3A_54] : memref<327680xi32, #tpu.memory_space<hbm>> -> memref<5120xi32, #tpu.memory_space<hbm>>
      tpu.enqueue_dma source(%dma_start3A_93 : memref<5120xi32, #tpu.memory_space<hbm>>) target(%arg10 : memref<5120xi32, #tpu.memory_space<vmem>>) target_semaphore(%run_scoped3A_91 : memref<!tpu.dma_semaphore, #tpu.memory_space<semaphore_mem>>)
      %dma_wait3A = tpu.memref_slice %arg4[%mul3A_54] : memref<327680xi32, #tpu.memory_space<hbm>> -> memref<5120xi32, #tpu.memory_space<hbm>>
      %dma_wait3A_94 = tpu.memref_slice %arg4[%mul3A_54] : memref<327680xi32, #tpu.memory_space<hbm>> -> memref<5120xi32, #tpu.memory_space<hbm>>
      tpu.wait_dma2 semaphore(%run_scoped3A_91 : memref<!tpu.dma_semaphore, #tpu.memory_space<semaphore_mem>>) src(%dma_wait3A_94 : memref<5120xi32, #tpu.memory_space<hbm>>) dst(%arg10 : memref<5120xi32, #tpu.memory_space<vmem>>)
      tpu.yield
    }) : () -> ()
    "tpu.region"() ({
      %run_scoped3A_91 = tpu.sem_alloc : memref<!tpu.dma_semaphore, #tpu.memory_space<semaphore_mem>>
      %dma_start3A_92 = tpu.memref_slice %arg5[%mul3A_54] : memref<327680xi32, #tpu.memory_space<hbm>> -> memref<5120xi32, #tpu.memory_space<hbm>>
      %dma_start3A_93 = tpu.memref_slice %arg5[%mul3A_54] : memref<327680xi32, #tpu.memory_space<hbm>> -> memref<5120xi32, #tpu.memory_space<hbm>>
      tpu.enqueue_dma source(%dma_start3A_93 : memref<5120xi32, #tpu.memory_space<hbm>>) target(%arg11 : memref<5120xi32, #tpu.memory_space<vmem>>) target_semaphore(%run_scoped3A_91 : memref<!tpu.dma_semaphore, #tpu.memory_space<semaphore_mem>>)
      %dma_wait3A = tpu.memref_slice %arg5[%mul3A_54] : memref<327680xi32, #tpu.memory_space<hbm>> -> memref<5120xi32, #tpu.memory_space<hbm>>
      %dma_wait3A_94 = tpu.memref_slice %arg5[%mul3A_54] : memref<327680xi32, #tpu.memory_space<hbm>> -> memref<5120xi32, #tpu.memory_space<hbm>>
      tpu.wait_dma2 semaphore(%run_scoped3A_91 : memref<!tpu.dma_semaphore, #tpu.memory_space<semaphore_mem>>) src(%dma_wait3A_94 : memref<5120xi32, #tpu.memory_space<hbm>>) dst(%arg11 : memref<5120xi32, #tpu.memory_space<vmem>>)
      tpu.yield
    }) : () -> ()
    %dma_start3A = arith.constant 0 : i32
    %dma_start3A_55 = tpu.memref_slice %arg10[%dma_start3A] : memref<5120xi32, #tpu.memory_space<vmem>> -> memref<128xi32, #tpu.memory_space<vmem>>
    %dma_start3A_56 = arith.constant 0 : i32
    %dma_start3A_57 = arith.constant 0 : i32
    %dma_start3A_58 = tpu.memref_slice %arg2[%dma_start3A_56, %dma_start3A_57] : memref<10240x128xf32, #tpu.memory_space<hbm>> -> memref<10240x128xf32, #tpu.memory_space<hbm>>
    tpu.enqueue_indirect_dma source(%dma_start3A_58 : memref<10240x128xf32, #tpu.memory_space<hbm>>) target(%arg12 : memref<128x128xf32, #tpu.memory_space<vmem>>) offsets(%dma_start3A_55 : memref<128xi32, #tpu.memory_space<vmem>>) semaphore(%arg18 : memref<!tpu.dma_semaphore, #tpu.memory_space<semaphore_mem>>)
    %dma_start3A_59 = arith.constant 0 : i32
    %dma_start3A_60 = tpu.memref_slice %arg11[%dma_start3A_59] : memref<5120xi32, #tpu.memory_space<vmem>> -> memref<128xi32, #tpu.memory_space<vmem>>
    %dma_start3A_61 = arith.constant 0 : i32
    %dma_start3A_62 = arith.constant 0 : i32
    %dma_start3A_63 = tpu.memref_slice %arg3[%dma_start3A_61, %dma_start3A_62] : memref<10240x128xf32, #tpu.memory_space<hbm>> -> memref<10240x128xf32, #tpu.memory_space<hbm>>
    tpu.enqueue_indirect_dma source(%dma_start3A_63 : memref<10240x128xf32, #tpu.memory_space<hbm>>) target(%arg13 : memref<128x128xf32, #tpu.memory_space<vmem>>) offsets(%dma_start3A_60 : memref<128xi32, #tpu.memory_space<vmem>>) semaphore(%arg19 : memref<!tpu.dma_semaphore, #tpu.memory_space<semaphore_mem>>)
    %scan3A = arith.constant 0 : i32
    %scan3A_64 = arith.constant 0 : i32
    %scan3A_65 = arith.constant 40 : i32
    %scan3A_66 = arith.addi %scan3A_64, %scan3A_65 : i32
    %scan3A_67 = arith.constant 1 : i32
    scf.for %scan3A_91 = %scan3A_64 to %scan3A_66 step %scan3A_67  : i32 {
      %mul3A_92 = arith.constant 128 : i32
      %mul3A_93 = arith.muli %scan3A_91, %mul3A_92 : i32
      %mul3A_94 = arith.constant 128 : i32
      %mul3A_95 = arith.muli %scan3A_91, %mul3A_94 : i32
      %dma_wait3A = tpu.memref_slice %arg10[%mul3A_93] : memref<5120xi32, #tpu.memory_space<vmem>> -> memref<128xi32, #tpu.memory_space<vmem>>
      %dma_wait3A_96 = arith.constant 0 : i32
      %dma_wait3A_97 = arith.constant 0 : i32
      %dma_wait3A_98 = tpu.memref_slice %arg2[%dma_wait3A_96, %dma_wait3A_97] : memref<10240x128xf32, #tpu.memory_space<hbm>> -> memref<10240x128xf32, #tpu.memory_space<hbm>>
      tpu.wait_indirect_dma semaphore(%arg18 : memref<!tpu.dma_semaphore, #tpu.memory_space<semaphore_mem>>) src(%dma_wait3A_98 : memref<10240x128xf32, #tpu.memory_space<hbm>>) dst(%arg12 : memref<128x128xf32, #tpu.memory_space<vmem>>)
      "tpu.region"() ({
        %run_scoped3A_114 = tpu.sem_alloc : memref<!tpu.dma_semaphore, #tpu.memory_space<semaphore_mem>>
        %dma_start3A_115 = tpu.memref_slice %arg11[%mul3A_95] : memref<5120xi32, #tpu.memory_space<vmem>> -> memref<128xi32, #tpu.memory_space<vmem>>
        %dma_start3A_116 = arith.constant 0 : i32
        %dma_start3A_117 = arith.constant 0 : i32
        %dma_start3A_118 = tpu.memref_slice %arg15[%dma_start3A_116, %dma_start3A_117] : memref<10240x128xf32, #tpu.memory_space<vmem_shared>> -> memref<10240x128xf32, #tpu.memory_space<vmem_shared>>
        tpu.enqueue_indirect_dma source(%arg12 : memref<128x128xf32, #tpu.memory_space<vmem>>) target(%dma_start3A_118 : memref<10240x128xf32, #tpu.memory_space<vmem_shared>>) offsets(%dma_start3A_115 : memref<128xi32, #tpu.memory_space<vmem>>) semaphore(%run_scoped3A_114 : memref<!tpu.dma_semaphore, #tpu.memory_space<semaphore_mem>>) {add = true}
        %dma_wait3A_119 = tpu.memref_slice %arg11[%mul3A_95] : memref<5120xi32, #tpu.memory_space<vmem>> -> memref<128xi32, #tpu.memory_space<vmem>>
        %dma_wait3A_120 = arith.constant 0 : i32
        %dma_wait3A_121 = arith.constant 0 : i32
        %dma_wait3A_122 = tpu.memref_slice %arg15[%dma_wait3A_120, %dma_wait3A_121] : memref<10240x128xf32, #tpu.memory_space<vmem_shared>> -> memref<10240x128xf32, #tpu.memory_space<vmem_shared>>
        tpu.wait_indirect_dma semaphore(%run_scoped3A_114 : memref<!tpu.dma_semaphore, #tpu.memory_space<semaphore_mem>>) src(%arg12 : memref<128x128xf32, #tpu.memory_space<vmem>>) dst(%dma_wait3A_122 : memref<10240x128xf32, #tpu.memory_space<vmem_shared>>)
        tpu.yield
      }) : () -> ()
      "tpu.region"() ({
        %run_scoped3A_114 = tpu.sem_alloc : memref<!tpu.dma_semaphore, #tpu.memory_space<semaphore_mem>>
        %dma_start3A_115 = tpu.memref_slice %arg11[%mul3A_95] : memref<5120xi32, #tpu.memory_space<vmem>> -> memref<128xi32, #tpu.memory_space<vmem>>
        %dma_start3A_116 = arith.constant 0 : i32
        %dma_start3A_117 = tpu.memref_slice %arg16[%dma_start3A_116] : memref<10240xf32, #tpu.memory_space<vmem_shared>> -> memref<10240xf32, #tpu.memory_space<vmem_shared>>
        tpu.enqueue_indirect_dma source(%arg14 : memref<128xf32, #tpu.memory_space<vmem>>) target(%dma_start3A_117 : memref<10240xf32, #tpu.memory_space<vmem_shared>>) offsets(%dma_start3A_115 : memref<128xi32, #tpu.memory_space<vmem>>) semaphore(%run_scoped3A_114 : memref<!tpu.dma_semaphore, #tpu.memory_space<semaphore_mem>>) {add = true}
        %dma_wait3A_118 = tpu.memref_slice %arg11[%mul3A_95] : memref<5120xi32, #tpu.memory_space<vmem>> -> memref<128xi32, #tpu.memory_space<vmem>>
        %dma_wait3A_119 = arith.constant 0 : i32
        %dma_wait3A_120 = tpu.memref_slice %arg16[%dma_wait3A_119] : memref<10240xf32, #tpu.memory_space<vmem_shared>> -> memref<10240xf32, #tpu.memory_space<vmem_shared>>
        tpu.wait_indirect_dma semaphore(%run_scoped3A_114 : memref<!tpu.dma_semaphore, #tpu.memory_space<semaphore_mem>>) src(%arg14 : memref<128xf32, #tpu.memory_space<vmem>>) dst(%dma_wait3A_120 : memref<10240xf32, #tpu.memory_space<vmem_shared>>)
        tpu.yield
      }) : () -> ()
      %add3A_99 = arith.constant 1 : i32
      %add3A_100 = arith.addi %scan3A_91, %add3A_99 : i32
      %lt3A = arith.constant 40 : i32
      %lt3A_101 = arith.cmpi slt, %add3A_100, %lt3A : i32
      %convert_element_type3A = arith.extui %lt3A_101 : i1 to i32
      %cond3A = arith.constant 0 : i32
      %cond3A_102 = arith.cmpi ne, %convert_element_type3A, %cond3A : i32
      scf.if %cond3A_102 {
        %add3A_114 = arith.constant 1 : i32
        %add3A_115 = arith.addi %scan3A_91, %add3A_114 : i32
        %mul3A_116 = arith.constant 128 : i32
        %mul3A_117 = arith.muli %add3A_115, %mul3A_116 : i32
        %dma_start3A_118 = tpu.memref_slice %arg10[%mul3A_117] : memref<5120xi32, #tpu.memory_space<vmem>> -> memref<128xi32, #tpu.memory_space<vmem>>
        %dma_start3A_119 = arith.constant 0 : i32
        %dma_start3A_120 = arith.constant 0 : i32
        %dma_start3A_121 = tpu.memref_slice %arg2[%dma_start3A_119, %dma_start3A_120] : memref<10240x128xf32, #tpu.memory_space<hbm>> -> memref<10240x128xf32, #tpu.memory_space<hbm>>
        tpu.enqueue_indirect_dma source(%dma_start3A_121 : memref<10240x128xf32, #tpu.memory_space<hbm>>) target(%arg12 : memref<128x128xf32, #tpu.memory_space<vmem>>) offsets(%dma_start3A_118 : memref<128xi32, #tpu.memory_space<vmem>>) semaphore(%arg18 : memref<!tpu.dma_semaphore, #tpu.memory_space<semaphore_mem>>)
      } else {
      }
      %dma_wait3A_103 = tpu.memref_slice %arg11[%mul3A_95] : memref<5120xi32, #tpu.memory_space<vmem>> -> memref<128xi32, #tpu.memory_space<vmem>>
      %dma_wait3A_104 = arith.constant 0 : i32
      %dma_wait3A_105 = arith.constant 0 : i32
      %dma_wait3A_106 = tpu.memref_slice %arg3[%dma_wait3A_104, %dma_wait3A_105] : memref<10240x128xf32, #tpu.memory_space<hbm>> -> memref<10240x128xf32, #tpu.memory_space<hbm>>
      tpu.wait_indirect_dma semaphore(%arg19 : memref<!tpu.dma_semaphore, #tpu.memory_space<semaphore_mem>>) src(%dma_wait3A_106 : memref<10240x128xf32, #tpu.memory_space<hbm>>) dst(%arg13 : memref<128x128xf32, #tpu.memory_space<vmem>>)
      "tpu.region"() ({
        %run_scoped3A_114 = tpu.sem_alloc : memref<!tpu.dma_semaphore, #tpu.memory_space<semaphore_mem>>
        %dma_start3A_115 = tpu.memref_slice %arg10[%mul3A_93] : memref<5120xi32, #tpu.memory_space<vmem>> -> memref<128xi32, #tpu.memory_space<vmem>>
        %dma_start3A_116 = arith.constant 0 : i32
        %dma_start3A_117 = arith.constant 0 : i32
        %dma_start3A_118 = tpu.memref_slice %arg15[%dma_start3A_116, %dma_start3A_117] : memref<10240x128xf32, #tpu.memory_space<vmem_shared>> -> memref<10240x128xf32, #tpu.memory_space<vmem_shared>>
        tpu.enqueue_indirect_dma source(%arg13 : memref<128x128xf32, #tpu.memory_space<vmem>>) target(%dma_start3A_118 : memref<10240x128xf32, #tpu.memory_space<vmem_shared>>) offsets(%dma_start3A_115 : memref<128xi32, #tpu.memory_space<vmem>>) semaphore(%run_scoped3A_114 : memref<!tpu.dma_semaphore, #tpu.memory_space<semaphore_mem>>) {add = true}
        %dma_wait3A_119 = tpu.memref_slice %arg10[%mul3A_93] : memref<5120xi32, #tpu.memory_space<vmem>> -> memref<128xi32, #tpu.memory_space<vmem>>
        %dma_wait3A_120 = arith.constant 0 : i32
        %dma_wait3A_121 = arith.constant 0 : i32
        %dma_wait3A_122 = tpu.memref_slice %arg15[%dma_wait3A_120, %dma_wait3A_121] : memref<10240x128xf32, #tpu.memory_space<vmem_shared>> -> memref<10240x128xf32, #tpu.memory_space<vmem_shared>>
        tpu.wait_indirect_dma semaphore(%run_scoped3A_114 : memref<!tpu.dma_semaphore, #tpu.memory_space<semaphore_mem>>) src(%arg13 : memref<128x128xf32, #tpu.memory_space<vmem>>) dst(%dma_wait3A_122 : memref<10240x128xf32, #tpu.memory_space<vmem_shared>>)
        tpu.yield
      }) : () -> ()
      "tpu.region"() ({
        %run_scoped3A_114 = tpu.sem_alloc : memref<!tpu.dma_semaphore, #tpu.memory_space<semaphore_mem>>
        %dma_start3A_115 = tpu.memref_slice %arg10[%mul3A_93] : memref<5120xi32, #tpu.memory_space<vmem>> -> memref<128xi32, #tpu.memory_space<vmem>>
        %dma_start3A_116 = arith.constant 0 : i32
        %dma_start3A_117 = tpu.memref_slice %arg17[%dma_start3A_116] : memref<10240xf32, #tpu.memory_space<vmem_shared>> -> memref<10240xf32, #tpu.memory_space<vmem_shared>>
        tpu.enqueue_indirect_dma source(%arg14 : memref<128xf32, #tpu.memory_space<vmem>>) target(%dma_start3A_117 : memref<10240xf32, #tpu.memory_space<vmem_shared>>) offsets(%dma_start3A_115 : memref<128xi32, #tpu.memory_space<vmem>>) semaphore(%run_scoped3A_114 : memref<!tpu.dma_semaphore, #tpu.memory_space<semaphore_mem>>) {add = true}
        %dma_wait3A_118 = tpu.memref_slice %arg10[%mul3A_93] : memref<5120xi32, #tpu.memory_space<vmem>> -> memref<128xi32, #tpu.memory_space<vmem>>
        %dma_wait3A_119 = arith.constant 0 : i32
        %dma_wait3A_120 = tpu.memref_slice %arg17[%dma_wait3A_119] : memref<10240xf32, #tpu.memory_space<vmem_shared>> -> memref<10240xf32, #tpu.memory_space<vmem_shared>>
        tpu.wait_indirect_dma semaphore(%run_scoped3A_114 : memref<!tpu.dma_semaphore, #tpu.memory_space<semaphore_mem>>) src(%arg14 : memref<128xf32, #tpu.memory_space<vmem>>) dst(%dma_wait3A_120 : memref<10240xf32, #tpu.memory_space<vmem_shared>>)
        tpu.yield
      }) : () -> ()
      %add3A_107 = arith.constant 1 : i32
      %add3A_108 = arith.addi %scan3A_91, %add3A_107 : i32
      %lt3A_109 = arith.constant 40 : i32
      %lt3A_110 = arith.cmpi slt, %add3A_108, %lt3A_109 : i32
      %convert_element_type3A_111 = arith.extui %lt3A_110 : i1 to i32
      %cond3A_112 = arith.constant 0 : i32
      %cond3A_113 = arith.cmpi ne, %convert_element_type3A_111, %cond3A_112 : i32
      scf.if %cond3A_113 {
        %add3A_114 = arith.constant 1 : i32
        %add3A_115 = arith.addi %scan3A_91, %add3A_114 : i32
        %mul3A_116 = arith.constant 128 : i32
        %mul3A_117 = arith.muli %add3A_115, %mul3A_116 : i32
        %dma_start3A_118 = tpu.memref_slice %arg11[%mul3A_117] : memref<5120xi32, #tpu.memory_space<vmem>> -> memref<128xi32, #tpu.memory_space<vmem>>
        %dma_start3A_119 = arith.constant 0 : i32
        %dma_start3A_120 = arith.constant 0 : i32
        %dma_start3A_121 = tpu.memref_slice %arg3[%dma_start3A_119, %dma_start3A_120] : memref<10240x128xf32, #tpu.memory_space<hbm>> -> memref<10240x128xf32, #tpu.memory_space<hbm>>
        tpu.enqueue_indirect_dma source(%dma_start3A_121 : memref<10240x128xf32, #tpu.memory_space<hbm>>) target(%arg13 : memref<128x128xf32, #tpu.memory_space<vmem>>) offsets(%dma_start3A_118 : memref<128xi32, #tpu.memory_space<vmem>>) semaphore(%arg19 : memref<!tpu.dma_semaphore, #tpu.memory_space<semaphore_mem>>)
      } else {
      }
    }
    %scan3A_68 = arith.constant 40 : i32
    %add3A_69 = arith.constant 40 : i32
    %add3A_70 = arith.addi %mul3A_50, %add3A_69 : i32
    %mul3A_71 = arith.constant 128 : i32
    %mul3A_72 = arith.muli %add3A_70, %mul3A_71 : i32
    "tpu.region"() ({
      %run_scoped3A_91 = tpu.sem_alloc : memref<!tpu.dma_semaphore, #tpu.memory_space<semaphore_mem>>
      %dma_start3A_92 = tpu.memref_slice %arg4[%mul3A_72] : memref<327680xi32, #tpu.memory_space<hbm>> -> memref<5120xi32, #tpu.memory_space<hbm>>
      %dma_start3A_93 = tpu.memref_slice %arg4[%mul3A_72] : memref<327680xi32, #tpu.memory_space<hbm>> -> memref<5120xi32, #tpu.memory_space<hbm>>
      tpu.enqueue_dma source(%dma_start3A_93 : memref<5120xi32, #tpu.memory_space<hbm>>) target(%arg10 : memref<5120xi32, #tpu.memory_space<vmem>>) target_semaphore(%run_scoped3A_91 : memref<!tpu.dma_semaphore, #tpu.memory_space<semaphore_mem>>)
      %dma_wait3A = tpu.memref_slice %arg4[%mul3A_72] : memref<327680xi32, #tpu.memory_space<hbm>> -> memref<5120xi32, #tpu.memory_space<hbm>>
      %dma_wait3A_94 = tpu.memref_slice %arg4[%mul3A_72] : memref<327680xi32, #tpu.memory_space<hbm>> -> memref<5120xi32, #tpu.memory_space<hbm>>
      tpu.wait_dma2 semaphore(%run_scoped3A_91 : memref<!tpu.dma_semaphore, #tpu.memory_space<semaphore_mem>>) src(%dma_wait3A_94 : memref<5120xi32, #tpu.memory_space<hbm>>) dst(%arg10 : memref<5120xi32, #tpu.memory_space<vmem>>)
      tpu.yield
    }) : () -> ()
    "tpu.region"() ({
      %run_scoped3A_91 = tpu.sem_alloc : memref<!tpu.dma_semaphore, #tpu.memory_space<semaphore_mem>>
      %dma_start3A_92 = tpu.memref_slice %arg5[%mul3A_72] : memref<327680xi32, #tpu.memory_space<hbm>> -> memref<5120xi32, #tpu.memory_space<hbm>>
      %dma_start3A_93 = tpu.memref_slice %arg5[%mul3A_72] : memref<327680xi32, #tpu.memory_space<hbm>> -> memref<5120xi32, #tpu.memory_space<hbm>>
      tpu.enqueue_dma source(%dma_start3A_93 : memref<5120xi32, #tpu.memory_space<hbm>>) target(%arg11 : memref<5120xi32, #tpu.memory_space<vmem>>) target_semaphore(%run_scoped3A_91 : memref<!tpu.dma_semaphore, #tpu.memory_space<semaphore_mem>>)
      %dma_wait3A = tpu.memref_slice %arg5[%mul3A_72] : memref<327680xi32, #tpu.memory_space<hbm>> -> memref<5120xi32, #tpu.memory_space<hbm>>
      %dma_wait3A_94 = tpu.memref_slice %arg5[%mul3A_72] : memref<327680xi32, #tpu.memory_space<hbm>> -> memref<5120xi32, #tpu.memory_space<hbm>>
      tpu.wait_dma2 semaphore(%run_scoped3A_91 : memref<!tpu.dma_semaphore, #tpu.memory_space<semaphore_mem>>) src(%dma_wait3A_94 : memref<5120xi32, #tpu.memory_space<hbm>>) dst(%arg11 : memref<5120xi32, #tpu.memory_space<vmem>>)
      tpu.yield
    }) : () -> ()
    %dma_start3A_73 = arith.constant 0 : i32
    %dma_start3A_74 = tpu.memref_slice %arg10[%dma_start3A_73] : memref<5120xi32, #tpu.memory_space<vmem>> -> memref<128xi32, #tpu.memory_space<vmem>>
    %dma_start3A_75 = arith.constant 0 : i32
    %dma_start3A_76 = arith.constant 0 : i32
    %dma_start3A_77 = tpu.memref_slice %arg2[%dma_start3A_75, %dma_start3A_76] : memref<10240x128xf32, #tpu.memory_space<hbm>> -> memref<10240x128xf32, #tpu.memory_space<hbm>>
    tpu.enqueue_indirect_dma source(%dma_start3A_77 : memref<10240x128xf32, #tpu.memory_space<hbm>>) target(%arg12 : memref<128x128xf32, #tpu.memory_space<vmem>>) offsets(%dma_start3A_74 : memref<128xi32, #tpu.memory_space<vmem>>) semaphore(%arg18 : memref<!tpu.dma_semaphore, #tpu.memory_space<semaphore_mem>>)
    %dma_start3A_78 = arith.constant 0 : i32
    %dma_start3A_79 = tpu.memref_slice %arg11[%dma_start3A_78] : memref<5120xi32, #tpu.memory_space<vmem>> -> memref<128xi32, #tpu.memory_space<vmem>>
    %dma_start3A_80 = arith.constant 0 : i32
    %dma_start3A_81 = arith.constant 0 : i32
    %dma_start3A_82 = tpu.memref_slice %arg3[%dma_start3A_80, %dma_start3A_81] : memref<10240x128xf32, #tpu.memory_space<hbm>> -> memref<10240x128xf32, #tpu.memory_space<hbm>>
    tpu.enqueue_indirect_dma source(%dma_start3A_82 : memref<10240x128xf32, #tpu.memory_space<hbm>>) target(%arg13 : memref<128x128xf32, #tpu.memory_space<vmem>>) offsets(%dma_start3A_79 : memref<128xi32, #tpu.memory_space<vmem>>) semaphore(%arg19 : memref<!tpu.dma_semaphore, #tpu.memory_space<semaphore_mem>>)
    %scan3A_83 = arith.constant 0 : i32
    %scan3A_84 = arith.constant 0 : i32
    %scan3A_85 = arith.constant 40 : i32
    %scan3A_86 = arith.addi %scan3A_84, %scan3A_85 : i32
    %scan3A_87 = arith.constant 1 : i32
    scf.for %scan3A_91 = %scan3A_84 to %scan3A_86 step %scan3A_87  : i32 {
      %mul3A_92 = arith.constant 128 : i32
      %mul3A_93 = arith.muli %scan3A_91, %mul3A_92 : i32
      %mul3A_94 = arith.constant 128 : i32
      %mul3A_95 = arith.muli %scan3A_91, %mul3A_94 : i32
      %dma_wait3A = tpu.memref_slice %arg10[%mul3A_93] : memref<5120xi32, #tpu.memory_space<vmem>> -> memref<128xi32, #tpu.memory_space<vmem>>
      %dma_wait3A_96 = arith.constant 0 : i32
      %dma_wait3A_97 = arith.constant 0 : i32
      %dma_wait3A_98 = tpu.memref_slice %arg2[%dma_wait3A_96, %dma_wait3A_97] : memref<10240x128xf32, #tpu.memory_space<hbm>> -> memref<10240x128xf32, #tpu.memory_space<hbm>>
      tpu.wait_indirect_dma semaphore(%arg18 : memref<!tpu.dma_semaphore, #tpu.memory_space<semaphore_mem>>) src(%dma_wait3A_98 : memref<10240x128xf32, #tpu.memory_space<hbm>>) dst(%arg12 : memref<128x128xf32, #tpu.memory_space<vmem>>)
      "tpu.region"() ({
        %run_scoped3A_114 = tpu.sem_alloc : memref<!tpu.dma_semaphore, #tpu.memory_space<semaphore_mem>>
        %dma_start3A_115 = tpu.memref_slice %arg11[%mul3A_95] : memref<5120xi32, #tpu.memory_space<vmem>> -> memref<128xi32, #tpu.memory_space<vmem>>
        %dma_start3A_116 = arith.constant 0 : i32
        %dma_start3A_117 = arith.constant 0 : i32
        %dma_start3A_118 = tpu.memref_slice %arg15[%dma_start3A_116, %dma_start3A_117] : memref<10240x128xf32, #tpu.memory_space<vmem_shared>> -> memref<10240x128xf32, #tpu.memory_space<vmem_shared>>
        tpu.enqueue_indirect_dma source(%arg12 : memref<128x128xf32, #tpu.memory_space<vmem>>) target(%dma_start3A_118 : memref<10240x128xf32, #tpu.memory_space<vmem_shared>>) offsets(%dma_start3A_115 : memref<128xi32, #tpu.memory_space<vmem>>) semaphore(%run_scoped3A_114 : memref<!tpu.dma_semaphore, #tpu.memory_space<semaphore_mem>>) {add = true}
        %dma_wait3A_119 = tpu.memref_slice %arg11[%mul3A_95] : memref<5120xi32, #tpu.memory_space<vmem>> -> memref<128xi32, #tpu.memory_space<vmem>>
        %dma_wait3A_120 = arith.constant 0 : i32
        %dma_wait3A_121 = arith.constant 0 : i32
        %dma_wait3A_122 = tpu.memref_slice %arg15[%dma_wait3A_120, %dma_wait3A_121] : memref<10240x128xf32, #tpu.memory_space<vmem_shared>> -> memref<10240x128xf32, #tpu.memory_space<vmem_shared>>
        tpu.wait_indirect_dma semaphore(%run_scoped3A_114 : memref<!tpu.dma_semaphore, #tpu.memory_space<semaphore_mem>>) src(%arg12 : memref<128x128xf32, #tpu.memory_space<vmem>>) dst(%dma_wait3A_122 : memref<10240x128xf32, #tpu.memory_space<vmem_shared>>)
        tpu.yield
      }) : () -> ()
      "tpu.region"() ({
        %run_scoped3A_114 = tpu.sem_alloc : memref<!tpu.dma_semaphore, #tpu.memory_space<semaphore_mem>>
        %dma_start3A_115 = tpu.memref_slice %arg11[%mul3A_95] : memref<5120xi32, #tpu.memory_space<vmem>> -> memref<128xi32, #tpu.memory_space<vmem>>
        %dma_start3A_116 = arith.constant 0 : i32
        %dma_start3A_117 = tpu.memref_slice %arg16[%dma_start3A_116] : memref<10240xf32, #tpu.memory_space<vmem_shared>> -> memref<10240xf32, #tpu.memory_space<vmem_shared>>
        tpu.enqueue_indirect_dma source(%arg14 : memref<128xf32, #tpu.memory_space<vmem>>) target(%dma_start3A_117 : memref<10240xf32, #tpu.memory_space<vmem_shared>>) offsets(%dma_start3A_115 : memref<128xi32, #tpu.memory_space<vmem>>) semaphore(%run_scoped3A_114 : memref<!tpu.dma_semaphore, #tpu.memory_space<semaphore_mem>>) {add = true}
        %dma_wait3A_118 = tpu.memref_slice %arg11[%mul3A_95] : memref<5120xi32, #tpu.memory_space<vmem>> -> memref<128xi32, #tpu.memory_space<vmem>>
        %dma_wait3A_119 = arith.constant 0 : i32
        %dma_wait3A_120 = tpu.memref_slice %arg16[%dma_wait3A_119] : memref<10240xf32, #tpu.memory_space<vmem_shared>> -> memref<10240xf32, #tpu.memory_space<vmem_shared>>
        tpu.wait_indirect_dma semaphore(%run_scoped3A_114 : memref<!tpu.dma_semaphore, #tpu.memory_space<semaphore_mem>>) src(%arg14 : memref<128xf32, #tpu.memory_space<vmem>>) dst(%dma_wait3A_120 : memref<10240xf32, #tpu.memory_space<vmem_shared>>)
        tpu.yield
      }) : () -> ()
      %add3A_99 = arith.constant 1 : i32
      %add3A_100 = arith.addi %scan3A_91, %add3A_99 : i32
      %lt3A = arith.constant 40 : i32
      %lt3A_101 = arith.cmpi slt, %add3A_100, %lt3A : i32
      %convert_element_type3A = arith.extui %lt3A_101 : i1 to i32
      %cond3A = arith.constant 0 : i32
      %cond3A_102 = arith.cmpi ne, %convert_element_type3A, %cond3A : i32
      scf.if %cond3A_102 {
        %add3A_114 = arith.constant 1 : i32
        %add3A_115 = arith.addi %scan3A_91, %add3A_114 : i32
        %mul3A_116 = arith.constant 128 : i32
        %mul3A_117 = arith.muli %add3A_115, %mul3A_116 : i32
        %dma_start3A_118 = tpu.memref_slice %arg10[%mul3A_117] : memref<5120xi32, #tpu.memory_space<vmem>> -> memref<128xi32, #tpu.memory_space<vmem>>
        %dma_start3A_119 = arith.constant 0 : i32
        %dma_start3A_120 = arith.constant 0 : i32
        %dma_start3A_121 = tpu.memref_slice %arg2[%dma_start3A_119, %dma_start3A_120] : memref<10240x128xf32, #tpu.memory_space<hbm>> -> memref<10240x128xf32, #tpu.memory_space<hbm>>
        tpu.enqueue_indirect_dma source(%dma_start3A_121 : memref<10240x128xf32, #tpu.memory_space<hbm>>) target(%arg12 : memref<128x128xf32, #tpu.memory_space<vmem>>) offsets(%dma_start3A_118 : memref<128xi32, #tpu.memory_space<vmem>>) semaphore(%arg18 : memref<!tpu.dma_semaphore, #tpu.memory_space<semaphore_mem>>)
      } else {
      }
      %dma_wait3A_103 = tpu.memref_slice %arg11[%mul3A_95] : memref<5120xi32, #tpu.memory_space<vmem>> -> memref<128xi32, #tpu.memory_space<vmem>>
      %dma_wait3A_104 = arith.constant 0 : i32
      %dma_wait3A_105 = arith.constant 0 : i32
      %dma_wait3A_106 = tpu.memref_slice %arg3[%dma_wait3A_104, %dma_wait3A_105] : memref<10240x128xf32, #tpu.memory_space<hbm>> -> memref<10240x128xf32, #tpu.memory_space<hbm>>
      tpu.wait_indirect_dma semaphore(%arg19 : memref<!tpu.dma_semaphore, #tpu.memory_space<semaphore_mem>>) src(%dma_wait3A_106 : memref<10240x128xf32, #tpu.memory_space<hbm>>) dst(%arg13 : memref<128x128xf32, #tpu.memory_space<vmem>>)
      "tpu.region"() ({
        %run_scoped3A_114 = tpu.sem_alloc : memref<!tpu.dma_semaphore, #tpu.memory_space<semaphore_mem>>
        %dma_start3A_115 = tpu.memref_slice %arg10[%mul3A_93] : memref<5120xi32, #tpu.memory_space<vmem>> -> memref<128xi32, #tpu.memory_space<vmem>>
        %dma_start3A_116 = arith.constant 0 : i32
        %dma_start3A_117 = arith.constant 0 : i32
        %dma_start3A_118 = tpu.memref_slice %arg15[%dma_start3A_116, %dma_start3A_117] : memref<10240x128xf32, #tpu.memory_space<vmem_shared>> -> memref<10240x128xf32, #tpu.memory_space<vmem_shared>>
        tpu.enqueue_indirect_dma source(%arg13 : memref<128x128xf32, #tpu.memory_space<vmem>>) target(%dma_start3A_118 : memref<10240x128xf32, #tpu.memory_space<vmem_shared>>) offsets(%dma_start3A_115 : memref<128xi32, #tpu.memory_space<vmem>>) semaphore(%run_scoped3A_114 : memref<!tpu.dma_semaphore, #tpu.memory_space<semaphore_mem>>) {add = true}
        %dma_wait3A_119 = tpu.memref_slice %arg10[%mul3A_93] : memref<5120xi32, #tpu.memory_space<vmem>> -> memref<128xi32, #tpu.memory_space<vmem>>
        %dma_wait3A_120 = arith.constant 0 : i32
        %dma_wait3A_121 = arith.constant 0 : i32
        %dma_wait3A_122 = tpu.memref_slice %arg15[%dma_wait3A_120, %dma_wait3A_121] : memref<10240x128xf32, #tpu.memory_space<vmem_shared>> -> memref<10240x128xf32, #tpu.memory_space<vmem_shared>>
        tpu.wait_indirect_dma semaphore(%run_scoped3A_114 : memref<!tpu.dma_semaphore, #tpu.memory_space<semaphore_mem>>) src(%arg13 : memref<128x128xf32, #tpu.memory_space<vmem>>) dst(%dma_wait3A_122 : memref<10240x128xf32, #tpu.memory_space<vmem_shared>>)
        tpu.yield
      }) : () -> ()
      "tpu.region"() ({
        %run_scoped3A_114 = tpu.sem_alloc : memref<!tpu.dma_semaphore, #tpu.memory_space<semaphore_mem>>
        %dma_start3A_115 = tpu.memref_slice %arg10[%mul3A_93] : memref<5120xi32, #tpu.memory_space<vmem>> -> memref<128xi32, #tpu.memory_space<vmem>>
        %dma_start3A_116 = arith.constant 0 : i32
        %dma_start3A_117 = tpu.memref_slice %arg17[%dma_start3A_116] : memref<10240xf32, #tpu.memory_space<vmem_shared>> -> memref<10240xf32, #tpu.memory_space<vmem_shared>>
        tpu.enqueue_indirect_dma source(%arg14 : memref<128xf32, #tpu.memory_space<vmem>>) target(%dma_start3A_117 : memref<10240xf32, #tpu.memory_space<vmem_shared>>) offsets(%dma_start3A_115 : memref<128xi32, #tpu.memory_space<vmem>>) semaphore(%run_scoped3A_114 : memref<!tpu.dma_semaphore, #tpu.memory_space<semaphore_mem>>) {add = true}
        %dma_wait3A_118 = tpu.memref_slice %arg10[%mul3A_93] : memref<5120xi32, #tpu.memory_space<vmem>> -> memref<128xi32, #tpu.memory_space<vmem>>
        %dma_wait3A_119 = arith.constant 0 : i32
        %dma_wait3A_120 = tpu.memref_slice %arg17[%dma_wait3A_119] : memref<10240xf32, #tpu.memory_space<vmem_shared>> -> memref<10240xf32, #tpu.memory_space<vmem_shared>>
        tpu.wait_indirect_dma semaphore(%run_scoped3A_114 : memref<!tpu.dma_semaphore, #tpu.memory_space<semaphore_mem>>) src(%arg14 : memref<128xf32, #tpu.memory_space<vmem>>) dst(%dma_wait3A_120 : memref<10240xf32, #tpu.memory_space<vmem_shared>>)
        tpu.yield
      }) : () -> ()
      %add3A_107 = arith.constant 1 : i32
      %add3A_108 = arith.addi %scan3A_91, %add3A_107 : i32
      %lt3A_109 = arith.constant 40 : i32
      %lt3A_110 = arith.cmpi slt, %add3A_108, %lt3A_109 : i32
      %convert_element_type3A_111 = arith.extui %lt3A_110 : i1 to i32
      %cond3A_112 = arith.constant 0 : i32
      %cond3A_113 = arith.cmpi ne, %convert_element_type3A_111, %cond3A_112 : i32
      scf.if %cond3A_113 {
        %add3A_114 = arith.constant 1 : i32
        %add3A_115 = arith.addi %scan3A_91, %add3A_114 : i32
        %mul3A_116 = arith.constant 128 : i32
        %mul3A_117 = arith.muli %add3A_115, %mul3A_116 : i32
        %dma_start3A_118 = tpu.memref_slice %arg11[%mul3A_117] : memref<5120xi32, #tpu.memory_space<vmem>> -> memref<128xi32, #tpu.memory_space<vmem>>
        %dma_start3A_119 = arith.constant 0 : i32
        %dma_start3A_120 = arith.constant 0 : i32
        %dma_start3A_121 = tpu.memref_slice %arg3[%dma_start3A_119, %dma_start3A_120] : memref<10240x128xf32, #tpu.memory_space<hbm>> -> memref<10240x128xf32, #tpu.memory_space<hbm>>
        tpu.enqueue_indirect_dma source(%dma_start3A_121 : memref<10240x128xf32, #tpu.memory_space<hbm>>) target(%arg13 : memref<128x128xf32, #tpu.memory_space<vmem>>) offsets(%dma_start3A_118 : memref<128xi32, #tpu.memory_space<vmem>>) semaphore(%arg19 : memref<!tpu.dma_semaphore, #tpu.memory_space<semaphore_mem>>)
      } else {
      }
    }
    %scan3A_88 = arith.constant 40 : i32
    %barrier3A_89 = arith.constant 0 : index
    tpu.barrier barrier_id(%barrier3A_89)
    "tpu.region"() ({
      %run_scoped3A_91 = tpu.sem_alloc : memref<!tpu.dma_semaphore, #tpu.memory_space<semaphore_mem>>
      %dma_start3A_92 = arith.constant 0 : i32
      %dma_start3A_93 = tpu.memref_slice %arg8[%arg0, %mul3A_2, %dma_start3A_92] : memref<2x10240x128xf32, #tpu.memory_space<hbm>> -> memref<1x640x128xf32, #tpu.memory_space<hbm>>
      %dma_start3A_94 = tpu.memref_squeeze %dma_start3A_93 : memref<1x640x128xf32, #tpu.memory_space<hbm>> -> memref<640x128xf32, #tpu.memory_space<hbm>>
      %dma_start3A_95 = arith.constant 0 : i32
      %dma_start3A_96 = tpu.memref_slice %arg15[%mul3A_2, %dma_start3A_95] : memref<10240x128xf32, #tpu.memory_space<vmem_shared>> -> memref<640x128xf32, #tpu.memory_space<vmem_shared>>
      tpu.enqueue_dma source(%dma_start3A_96 : memref<640x128xf32, #tpu.memory_space<vmem_shared>>) target(%dma_start3A_94 : memref<640x128xf32, #tpu.memory_space<hbm>>) target_semaphore(%run_scoped3A_91 : memref<!tpu.dma_semaphore, #tpu.memory_space<semaphore_mem>>)
      %dma_wait3A = arith.constant 0 : i32
      %dma_wait3A_97 = tpu.memref_slice %arg8[%arg0, %mul3A_2, %dma_wait3A] : memref<2x10240x128xf32, #tpu.memory_space<hbm>> -> memref<1x640x128xf32, #tpu.memory_space<hbm>>
      %dma_wait3A_98 = tpu.memref_squeeze %dma_wait3A_97 : memref<1x640x128xf32, #tpu.memory_space<hbm>> -> memref<640x128xf32, #tpu.memory_space<hbm>>
      %dma_wait3A_99 = arith.constant 0 : i32
      %dma_wait3A_100 = tpu.memref_slice %arg15[%mul3A_2, %dma_wait3A_99] : memref<10240x128xf32, #tpu.memory_space<vmem_shared>> -> memref<640x128xf32, #tpu.memory_space<vmem_shared>>
      tpu.wait_dma2 semaphore(%run_scoped3A_91 : memref<!tpu.dma_semaphore, #tpu.memory_space<semaphore_mem>>) src(%dma_wait3A_100 : memref<640x128xf32, #tpu.memory_space<vmem_shared>>) dst(%dma_wait3A_98 : memref<640x128xf32, #tpu.memory_space<hbm>>)
      tpu.yield
    }) : () -> ()
    %run_scoped3A = arith.constant 0 : i32
    "tpu.region"() ({
      %run_scoped3A_91 = tpu.sem_alloc : memref<!tpu.dma_semaphore, #tpu.memory_space<semaphore_mem>>
      %dma_start3A_92 = tpu.memref_slice %arg9[%arg0, %run_scoped3A, %mul3A_2] : memref<2x2x10240xf32, #tpu.memory_space<hbm>> -> memref<1x1x640xf32, #tpu.memory_space<hbm>>
      %dma_start3A_93 = tpu.memref_squeeze %dma_start3A_92 : memref<1x1x640xf32, #tpu.memory_space<hbm>> -> memref<640xf32, #tpu.memory_space<hbm>>
      %dma_start3A_94 = tpu.memref_slice %arg16[%mul3A_2] : memref<10240xf32, #tpu.memory_space<vmem_shared>> -> memref<640xf32, #tpu.memory_space<vmem_shared>>
      tpu.enqueue_dma source(%dma_start3A_94 : memref<640xf32, #tpu.memory_space<vmem_shared>>) target(%dma_start3A_93 : memref<640xf32, #tpu.memory_space<hbm>>) target_semaphore(%run_scoped3A_91 : memref<!tpu.dma_semaphore, #tpu.memory_space<semaphore_mem>>)
      %dma_wait3A = tpu.memref_slice %arg9[%arg0, %run_scoped3A, %mul3A_2] : memref<2x2x10240xf32, #tpu.memory_space<hbm>> -> memref<1x1x640xf32, #tpu.memory_space<hbm>>
      %dma_wait3A_95 = tpu.memref_squeeze %dma_wait3A : memref<1x1x640xf32, #tpu.memory_space<hbm>> -> memref<640xf32, #tpu.memory_space<hbm>>
      %dma_wait3A_96 = tpu.memref_slice %arg16[%mul3A_2] : memref<10240xf32, #tpu.memory_space<vmem_shared>> -> memref<640xf32, #tpu.memory_space<vmem_shared>>
      tpu.wait_dma2 semaphore(%run_scoped3A_91 : memref<!tpu.dma_semaphore, #tpu.memory_space<semaphore_mem>>) src(%dma_wait3A_96 : memref<640xf32, #tpu.memory_space<vmem_shared>>) dst(%dma_wait3A_95 : memref<640xf32, #tpu.memory_space<hbm>>)
      tpu.yield
    }) : () -> ()
    %run_scoped3A_90 = arith.constant 1 : i32
    "tpu.region"() ({
      %run_scoped3A_91 = tpu.sem_alloc : memref<!tpu.dma_semaphore, #tpu.memory_space<semaphore_mem>>
      %dma_start3A_92 = tpu.memref_slice %arg9[%arg0, %run_scoped3A_90, %mul3A_2] : memref<2x2x10240xf32, #tpu.memory_space<hbm>> -> memref<1x1x640xf32, #tpu.memory_space<hbm>>
      %dma_start3A_93 = tpu.memref_squeeze %dma_start3A_92 : memref<1x1x640xf32, #tpu.memory_space<hbm>> -> memref<640xf32, #tpu.memory_space<hbm>>
      %dma_start3A_94 = tpu.memref_slice %arg17[%mul3A_2] : memref<10240xf32, #tpu.memory_space<vmem_shared>> -> memref<640xf32, #tpu.memory_space<vmem_shared>>
      tpu.enqueue_dma source(%dma_start3A_94 : memref<640xf32, #tpu.memory_space<vmem_shared>>) target(%dma_start3A_93 : memref<640xf32, #tpu.memory_space<hbm>>) target_semaphore(%run_scoped3A_91 : memref<!tpu.dma_semaphore, #tpu.memory_space<semaphore_mem>>)
      %dma_wait3A = tpu.memref_slice %arg9[%arg0, %run_scoped3A_90, %mul3A_2] : memref<2x2x10240xf32, #tpu.memory_space<hbm>> -> memref<1x1x640xf32, #tpu.memory_space<hbm>>
      %dma_wait3A_95 = tpu.memref_squeeze %dma_wait3A : memref<1x1x640xf32, #tpu.memory_space<hbm>> -> memref<640xf32, #tpu.memory_space<hbm>>
      %dma_wait3A_96 = tpu.memref_slice %arg17[%mul3A_2] : memref<10240xf32, #tpu.memory_space<vmem_shared>> -> memref<640xf32, #tpu.memory_space<vmem_shared>>
      tpu.wait_dma2 semaphore(%run_scoped3A_91 : memref<!tpu.dma_semaphore, #tpu.memory_space<semaphore_mem>>) src(%dma_wait3A_96 : memref<640xf32, #tpu.memory_space<vmem_shared>>) dst(%dma_wait3A_95 : memref<640xf32, #tpu.memory_space<hbm>>)
      tpu.yield
    }) : () -> ()
    return
  }
}

module attributes {stable_mosaic.version = 14 : i64} {
  func.func @_prep_body(%arg0: memref<256x128xf32, #tpu.memory_space<vmem>>, %arg1: memref<256x128xf32, #tpu.memory_space<vmem>>, %arg2: memref<256x128xf32, #tpu.memory_space<vmem>>, %arg3: memref<1x128xf32, #tpu.memory_space<vmem>>, %arg4: memref<1x128xf32, #tpu.memory_space<vmem>>, %arg5: memref<1x128xf32, #tpu.memory_space<vmem>>, %arg6: memref<128x640xf32, #tpu.memory_space<vmem>>, %arg7: memref<1x640xf32, #tpu.memory_space<vmem>>) attributes {dimension_semantics = [], scalar_prefetch = 0 : i64, scratch_operands = 0 : i64, tpu.core_type = #tpu.core_type<tc>} {
    %get3A = arith.constant 0 : index
    %get3A_0 = arith.constant 0 : index
    %get3A_1 = vector.load %arg2[%get3A, %get3A_0] : memref<256x128xf32, #tpu.memory_space<vmem>>, vector<128x128xf32>
    %get3A_2 = arith.constant 0 : index
    %get3A_3 = arith.constant 0 : index
    %get3A_4 = vector.load %arg0[%get3A_2, %get3A_3] : memref<256x128xf32, #tpu.memory_space<vmem>>, vector<128x128xf32>
    %dot_general3A = arith.constant dense<0.000000e+00> : vector<128x128xf32>
    %dot_general3A_5 = tpu.matmul %get3A_4, %get3A_1, %dot_general3A {dimension_numbers = #tpu.dot_dimension_numbers<[1], [0], [0], [1], [0, 0, 1, 1], [], []>, transpose_lhs_hint = false} : vector<128x128xf32>, vector<128x128xf32>, vector<128x128xf32> -> vector<128x128xf32>
    %swap3A = arith.constant 0 : index
    %swap3A_6 = arith.constant 0 : index
    %swap3A_7 = vector.load %arg6[%swap3A, %swap3A_6] : memref<128x640xf32, #tpu.memory_space<vmem>>, vector<128x128xf32>
    tpu.vector_store %arg6[%swap3A, %swap3A_6], %dot_general3A_5 {strides = array<i32>} : memref<128x640xf32, #tpu.memory_space<vmem>>, vector<128x128xf32>,
    %get3A_8 = arith.constant 0 : index
    %get3A_9 = arith.constant 0 : index
    %get3A_10 = vector.load %arg1[%get3A_8, %get3A_9] : memref<256x128xf32, #tpu.memory_space<vmem>>, vector<128x128xf32>
    %dot_general3A_11 = arith.constant dense<0.000000e+00> : vector<128x128xf32>
    %dot_general3A_12 = tpu.matmul %get3A_10, %get3A_1, %dot_general3A_11 {dimension_numbers = #tpu.dot_dimension_numbers<[1], [0], [0], [1], [0, 0, 1, 1], [], []>, transpose_lhs_hint = false} : vector<128x128xf32>, vector<128x128xf32>, vector<128x128xf32> -> vector<128x128xf32>
    %swap3A_13 = arith.constant 0 : index
    %swap3A_14 = arith.constant 128 : index
    %swap3A_15 = vector.load %arg6[%swap3A_13, %swap3A_14] : memref<128x640xf32, #tpu.memory_space<vmem>>, vector<128x128xf32>
    tpu.vector_store %arg6[%swap3A_13, %swap3A_14], %dot_general3A_12 {strides = array<i32>} : memref<128x640xf32, #tpu.memory_space<vmem>>, vector<128x128xf32>,
    %get3A_16 = arith.constant 128 : index
    %get3A_17 = arith.constant 0 : index
    %get3A_18 = vector.load %arg0[%get3A_16, %get3A_17] : memref<256x128xf32, #tpu.memory_space<vmem>>, vector<128x128xf32>
    %dot_general3A_19 = arith.constant dense<0.000000e+00> : vector<128x128xf32>
    %dot_general3A_20 = tpu.matmul %get3A_18, %get3A_1, %dot_general3A_19 {dimension_numbers = #tpu.dot_dimension_numbers<[1], [0], [0], [1], [0, 0, 1, 1], [], []>, transpose_lhs_hint = false} : vector<128x128xf32>, vector<128x128xf32>, vector<128x128xf32> -> vector<128x128xf32>
    %swap3A_21 = arith.constant 0 : index
    %swap3A_22 = arith.constant 256 : index
    %swap3A_23 = vector.load %arg6[%swap3A_21, %swap3A_22] : memref<128x640xf32, #tpu.memory_space<vmem>>, vector<128x128xf32>
    tpu.vector_store %arg6[%swap3A_21, %swap3A_22], %dot_general3A_20 {strides = array<i32>} : memref<128x640xf32, #tpu.memory_space<vmem>>, vector<128x128xf32>,
    %get3A_24 = arith.constant 128 : index
    %get3A_25 = arith.constant 0 : index
    %get3A_26 = vector.load %arg1[%get3A_24, %get3A_25] : memref<256x128xf32, #tpu.memory_space<vmem>>, vector<128x128xf32>
    %dot_general3A_27 = arith.constant dense<0.000000e+00> : vector<128x128xf32>
    %dot_general3A_28 = tpu.matmul %get3A_26, %get3A_1, %dot_general3A_27 {dimension_numbers = #tpu.dot_dimension_numbers<[1], [0], [0], [1], [0, 0, 1, 1], [], []>, transpose_lhs_hint = false} : vector<128x128xf32>, vector<128x128xf32>, vector<128x128xf32> -> vector<128x128xf32>
    %swap3A_29 = arith.constant 0 : index
    %swap3A_30 = arith.constant 384 : index
    %swap3A_31 = vector.load %arg6[%swap3A_29, %swap3A_30] : memref<128x640xf32, #tpu.memory_space<vmem>>, vector<128x128xf32>
    tpu.vector_store %arg6[%swap3A_29, %swap3A_30], %dot_general3A_28 {strides = array<i32>} : memref<128x640xf32, #tpu.memory_space<vmem>>, vector<128x128xf32>,
    %get3A_32 = arith.constant 128 : index
    %get3A_33 = arith.constant 0 : index
    %get3A_34 = vector.load %arg2[%get3A_32, %get3A_33] : memref<256x128xf32, #tpu.memory_space<vmem>>, vector<128x128xf32>
    %swap3A_35 = arith.constant 0 : index
    %swap3A_36 = arith.constant 512 : index
    %swap3A_37 = vector.load %arg6[%swap3A_35, %swap3A_36] : memref<128x640xf32, #tpu.memory_space<vmem>>, vector<128x128xf32>
    tpu.vector_store %arg6[%swap3A_35, %swap3A_36], %get3A_34 {strides = array<i32>} : memref<128x640xf32, #tpu.memory_space<vmem>>, vector<128x128xf32>,
    %broadcast_in_dim3A = arith.constant 0.000000e+00 : f32
    %broadcast_in_dim3A_38 = vector.broadcast %broadcast_in_dim3A : f32 to vector<1x256xf32>
    %swap3A_39 = arith.constant 0 : index
    %swap3A_40 = arith.constant 0 : index
    %swap3A_41 = vector.load %arg7[%swap3A_39, %swap3A_40] : memref<1x640xf32, #tpu.memory_space<vmem>>, vector<1x256xf32>
    tpu.vector_store %arg7[%swap3A_39, %swap3A_40], %broadcast_in_dim3A_38 {strides = array<i32>} : memref<1x640xf32, #tpu.memory_space<vmem>>, vector<1x256xf32>,
    %get3A_42 = arith.constant 0 : index
    %get3A_43 = arith.constant 0 : index
    %get3A_44 = vector.load %arg3[%get3A_42, %get3A_43] : memref<1x128xf32, #tpu.memory_space<vmem>>, vector<1x128xf32>
    %dot_general3A_45 = arith.constant dense<0.000000e+00> : vector<1x128xf32>
    %dot_general3A_46 = tpu.matmul %get3A_44, %get3A_1, %dot_general3A_45 {dimension_numbers = #tpu.dot_dimension_numbers<[1], [0], [0], [1], [0, 0, 1, 1], [], []>, transpose_lhs_hint = false} : vector<1x128xf32>, vector<128x128xf32>, vector<1x128xf32> -> vector<1x128xf32>
    %swap3A_47 = arith.constant 0 : index
    %swap3A_48 = arith.constant 256 : index
    %swap3A_49 = vector.load %arg7[%swap3A_47, %swap3A_48] : memref<1x640xf32, #tpu.memory_space<vmem>>, vector<1x128xf32>
    tpu.vector_store %arg7[%swap3A_47, %swap3A_48], %dot_general3A_46 {strides = array<i32>} : memref<1x640xf32, #tpu.memory_space<vmem>>, vector<1x128xf32>,
    %get3A_50 = arith.constant 0 : index
    %get3A_51 = arith.constant 0 : index
    %get3A_52 = vector.load %arg4[%get3A_50, %get3A_51] : memref<1x128xf32, #tpu.memory_space<vmem>>, vector<1x128xf32>
    %dot_general3A_53 = arith.constant dense<0.000000e+00> : vector<1x128xf32>
    %dot_general3A_54 = tpu.matmul %get3A_52, %get3A_1, %dot_general3A_53 {dimension_numbers = #tpu.dot_dimension_numbers<[1], [0], [0], [1], [0, 0, 1, 1], [], []>, transpose_lhs_hint = false} : vector<1x128xf32>, vector<128x128xf32>, vector<1x128xf32> -> vector<1x128xf32>
    %swap3A_55 = arith.constant 0 : index
    %swap3A_56 = arith.constant 384 : index
    %swap3A_57 = vector.load %arg7[%swap3A_55, %swap3A_56] : memref<1x640xf32, #tpu.memory_space<vmem>>, vector<1x128xf32>
    tpu.vector_store %arg7[%swap3A_55, %swap3A_56], %dot_general3A_54 {strides = array<i32>} : memref<1x640xf32, #tpu.memory_space<vmem>>, vector<1x128xf32>,
    %get3A_58 = arith.constant 0 : index
    %get3A_59 = arith.constant 0 : index
    %get3A_60 = vector.load %arg5[%get3A_58, %get3A_59] : memref<1x128xf32, #tpu.memory_space<vmem>>, vector<1x128xf32>
    %swap3A_61 = arith.constant 0 : index
    %swap3A_62 = arith.constant 512 : index
    %swap3A_63 = vector.load %arg7[%swap3A_61, %swap3A_62] : memref<1x640xf32, #tpu.memory_space<vmem>>, vector<1x128xf32>
    tpu.vector_store %arg7[%swap3A_61, %swap3A_62], %get3A_60 {strides = array<i32>} : memref<1x640xf32, #tpu.memory_space<vmem>>, vector<1x128xf32>,
    return
  }
}

module attributes {stable_mosaic.version = 14 : i64} {
  func.func @_proj_body(%arg0: i32, %arg1: memref<640x128xf32, #tpu.memory_space<vmem>>, %arg2: memref<128x640xf32, #tpu.memory_space<vmem>>, %arg3: memref<1x640xf32, #tpu.memory_space<vmem>>, %arg4: memref<640x128xf32, #tpu.memory_space<vmem>>, %arg5: memref<640x128xf32, #tpu.memory_space<vmem>>, %arg6: memref<640x128xf32, #tpu.memory_space<vmem>>, %arg7: memref<640x128xf32, #tpu.memory_space<vmem>>, %arg8: memref<640x128xf32, #tpu.memory_space<vmem>>) attributes {dimension_semantics = [#tpu.dimension_semantics<arbitrary>], iteration_bounds = array<i64: 16>, scalar_prefetch = 0 : i64, scratch_operands = 0 : i64, tpu.core_type = #tpu.core_type<tc>, window_params = [{transform_indices = @transform_0, window_bounds = array<i64: 640, 128>}, {pipeline_mode = #tpu.pipeline_mode<synchronous>, transform_indices = @transform_1, window_bounds = array<i64: 128, 640>}, {pipeline_mode = #tpu.pipeline_mode<synchronous>, transform_indices = @transform_2, window_bounds = array<i64: 1, 640>}, {transform_indices = @transform_3, window_bounds = array<i64: 640, 128>}, {transform_indices = @transform_4, window_bounds = array<i64: 640, 128>}, {transform_indices = @transform_5, window_bounds = array<i64: 640, 128>}, {transform_indices = @transform_6, window_bounds = array<i64: 640, 128>}, {transform_indices = @transform_7, window_bounds = array<i64: 640, 128>}]} {
    %get3A = arith.constant 0 : index
    %get3A_0 = arith.constant 0 : index
    %get3A_1 = vector.load %arg1[%get3A, %get3A_0] : memref<640x128xf32, #tpu.memory_space<vmem>>, vector<640x128xf32>
    %get3A_2 = arith.constant 0 : index
    %get3A_3 = arith.constant 0 : index
    %get3A_4 = vector.load %arg2[%get3A_2, %get3A_3] : memref<128x640xf32, #tpu.memory_space<vmem>>, vector<128x640xf32>
    %dot_general3A = arith.constant dense<0.000000e+00> : vector<640x640xf32>
    %dot_general3A_5 = tpu.matmul %get3A_1, %get3A_4, %dot_general3A {dimension_numbers = #tpu.dot_dimension_numbers<[1], [0], [0], [1], [0, 0, 1, 1], [], []>, transpose_lhs_hint = false} : vector<640x128xf32>, vector<128x640xf32>, vector<640x640xf32> -> vector<640x640xf32>
    %get3A_6 = arith.constant 0 : index
    %get3A_7 = arith.constant 0 : index
    %get3A_8 = vector.load %arg3[%get3A_6, %get3A_7] : memref<1x640xf32, #tpu.memory_space<vmem>>, vector<1x640xf32>
    %add3A = vector.broadcast %get3A_8 : vector<1x640xf32> to vector<640x640xf32>
    %add3A_9 = arith.addf %dot_general3A_5, %add3A : vector<640x640xf32>
    %slice3A = vector.extract_strided_slice %add3A_9 {offsets = [0, 0], sizes = [640, 128], strides = [1, 1]} : vector<640x640xf32> to vector<640x128xf32>
    %swap3A = arith.constant 0 : index
    %swap3A_10 = arith.constant 0 : index
    %swap3A_11 = vector.load %arg4[%swap3A, %swap3A_10] : memref<640x128xf32, #tpu.memory_space<vmem>>, vector<640x128xf32>
    tpu.vector_store %arg4[%swap3A, %swap3A_10], %slice3A {strides = array<i32>} : memref<640x128xf32, #tpu.memory_space<vmem>>, vector<640x128xf32>,
    %slice3A_12 = vector.extract_strided_slice %add3A_9 {offsets = [0, 128], sizes = [640, 128], strides = [1, 1]} : vector<640x640xf32> to vector<640x128xf32>
    %swap3A_13 = arith.constant 0 : index
    %swap3A_14 = arith.constant 0 : index
    %swap3A_15 = vector.load %arg5[%swap3A_13, %swap3A_14] : memref<640x128xf32, #tpu.memory_space<vmem>>, vector<640x128xf32>
    tpu.vector_store %arg5[%swap3A_13, %swap3A_14], %slice3A_12 {strides = array<i32>} : memref<640x128xf32, #tpu.memory_space<vmem>>, vector<640x128xf32>,
    %slice3A_16 = vector.extract_strided_slice %add3A_9 {offsets = [0, 256], sizes = [640, 128], strides = [1, 1]} : vector<640x640xf32> to vector<640x128xf32>
    %swap3A_17 = arith.constant 0 : index
    %swap3A_18 = arith.constant 0 : index
    %swap3A_19 = vector.load %arg6[%swap3A_17, %swap3A_18] : memref<640x128xf32, #tpu.memory_space<vmem>>, vector<640x128xf32>
    tpu.vector_store %arg6[%swap3A_17, %swap3A_18], %slice3A_16 {strides = array<i32>} : memref<640x128xf32, #tpu.memory_space<vmem>>, vector<640x128xf32>,
    %slice3A_20 = vector.extract_strided_slice %add3A_9 {offsets = [0, 384], sizes = [640, 128], strides = [1, 1]} : vector<640x640xf32> to vector<640x128xf32>
    %swap3A_21 = arith.constant 0 : index
    %swap3A_22 = arith.constant 0 : index
    %swap3A_23 = vector.load %arg7[%swap3A_21, %swap3A_22] : memref<640x128xf32, #tpu.memory_space<vmem>>, vector<640x128xf32>
    tpu.vector_store %arg7[%swap3A_21, %swap3A_22], %slice3A_20 {strides = array<i32>} : memref<640x128xf32, #tpu.memory_space<vmem>>, vector<640x128xf32>,
    %slice3A_24 = vector.extract_strided_slice %add3A_9 {offsets = [0, 512], sizes = [640, 128], strides = [1, 1]} : vector<640x640xf32> to vector<640x128xf32>
    %swap3A_25 = arith.constant 0 : index
    %swap3A_26 = arith.constant 0 : index
    %swap3A_27 = vector.load %arg8[%swap3A_25, %swap3A_26] : memref<640x128xf32, #tpu.memory_space<vmem>>, vector<640x128xf32>
    tpu.vector_store %arg8[%swap3A_25, %swap3A_26], %slice3A_24 {strides = array<i32>} : memref<640x128xf32, #tpu.memory_space<vmem>>, vector<640x128xf32>,
    return
  }
  func.func @transform_0(%arg0: i32) -> (i32, i32) {
    %c0_i32 = arith.constant 0 : i32
    %c0_i32_0 = arith.constant 0 : i32
    return %arg0, %c0_i32 : i32, i32
  }
  func.func @transform_1(%arg0: i32) -> (i32, i32) {
    %c0_i32 = arith.constant 0 : i32
    %c0_i32_0 = arith.constant 0 : i32
    %c0_i32_1 = arith.constant 0 : i32
    return %c0_i32, %c0_i32_0 : i32, i32
  }
  func.func @transform_2(%arg0: i32) -> (i32, i32) {
    %c0_i32 = arith.constant 0 : i32
    %c0_i32_0 = arith.constant 0 : i32
    %c0_i32_1 = arith.constant 0 : i32
    return %c0_i32, %c0_i32_0 : i32, i32
  }
  func.func @transform_3(%arg0: i32) -> (i32, i32) {
    %c0_i32 = arith.constant 0 : i32
    %c0_i32_0 = arith.constant 0 : i32
    return %arg0, %c0_i32 : i32, i32
  }
  func.func @transform_4(%arg0: i32) -> (i32, i32) {
    %c0_i32 = arith.constant 0 : i32
    %c0_i32_0 = arith.constant 0 : i32
    return %arg0, %c0_i32 : i32, i32
  }
  func.func @transform_5(%arg0: i32) -> (i32, i32) {
    %c0_i32 = arith.constant 0 : i32
    %c0_i32_0 = arith.constant 0 : i32
    return %arg0, %c0_i32 : i32, i32
  }
  func.func @transform_6(%arg0: i32) -> (i32, i32) {
    %c0_i32 = arith.constant 0 : i32
    %c0_i32_0 = arith.constant 0 : i32
    return %arg0, %c0_i32 : i32, i32
  }
  func.func @transform_7(%arg0: i32) -> (i32, i32) {
    %c0_i32 = arith.constant 0 : i32
    %c0_i32_0 = arith.constant 0 : i32
    return %arg0, %c0_i32 : i32, i32
  }
}

module attributes {stable_mosaic.version = 14 : i64} {
  func.func @_comb_body(%arg0: i32, %arg1: memref<640x128xf32, #tpu.memory_space<vmem>>, %arg2: memref<640x128xf32, #tpu.memory_space<vmem>>, %arg3: memref<640x128xf32, #tpu.memory_space<vmem>>, %arg4: memref<640x128xf32, #tpu.memory_space<vmem>>, %arg5: memref<640x128xf32, #tpu.memory_space<vmem>>, %arg6: memref<640x1xf32, #tpu.memory_space<vmem>>, %arg7: memref<640x1xf32, #tpu.memory_space<vmem>>, %arg8: memref<640x128xf32, #tpu.memory_space<vmem>>) attributes {dimension_semantics = [#tpu.dimension_semantics<arbitrary>], iteration_bounds = array<i64: 16>, scalar_prefetch = 0 : i64, scratch_operands = 0 : i64, tpu.core_type = #tpu.core_type<tc>, window_params = [{transform_indices = @transform_0, window_bounds = array<i64: 640, 128>}, {transform_indices = @transform_1, window_bounds = array<i64: 640, 128>}, {transform_indices = @transform_2, window_bounds = array<i64: 640, 128>}, {transform_indices = @transform_3, window_bounds = array<i64: 640, 128>}, {transform_indices = @transform_4, window_bounds = array<i64: 640, 128>}, {transform_indices = @transform_5, window_bounds = array<i64: 640, 1>}, {transform_indices = @transform_6, window_bounds = array<i64: 640, 1>}, {transform_indices = @transform_7, window_bounds = array<i64: 640, 128>}]} {
    %get3A = arith.constant 0 : index
    %get3A_0 = arith.constant 0 : index
    %get3A_1 = vector.load %arg1[%get3A, %get3A_0] : memref<640x128xf32, #tpu.memory_space<vmem>>, vector<640x128xf32>
    %get3A_2 = arith.constant 0 : index
    %get3A_3 = arith.constant 0 : index
    %get3A_4 = vector.load %arg2[%get3A_2, %get3A_3] : memref<640x128xf32, #tpu.memory_space<vmem>>, vector<640x128xf32>
    %add3A = arith.addf %get3A_1, %get3A_4 : vector<640x128xf32>
    %get3A_5 = arith.constant 0 : index
    %get3A_6 = arith.constant 0 : index
    %get3A_7 = vector.load %arg3[%get3A_5, %get3A_6] : memref<640x128xf32, #tpu.memory_space<vmem>>, vector<640x128xf32>
    %add3A_8 = arith.addf %add3A, %get3A_7 : vector<640x128xf32>
    %get3A_9 = arith.constant 0 : index
    %get3A_10 = arith.constant 0 : index
    %get3A_11 = vector.load %arg6[%get3A_9, %get3A_10] : memref<640x1xf32, #tpu.memory_space<vmem>>, vector<640x1xf32>
    %get3A_12 = arith.constant 0 : index
    %get3A_13 = arith.constant 0 : index
    %get3A_14 = vector.load %arg4[%get3A_12, %get3A_13] : memref<640x128xf32, #tpu.memory_space<vmem>>, vector<640x128xf32>
    %mul3A = vector.broadcast %get3A_11 : vector<640x1xf32> to vector<640x128xf32>
    %mul3A_15 = arith.mulf %mul3A, %get3A_14 : vector<640x128xf32>
    %add3A_16 = arith.addf %add3A_8, %mul3A_15 : vector<640x128xf32>
    %get3A_17 = arith.constant 0 : index
    %get3A_18 = arith.constant 0 : index
    %get3A_19 = vector.load %arg7[%get3A_17, %get3A_18] : memref<640x1xf32, #tpu.memory_space<vmem>>, vector<640x1xf32>
    %get3A_20 = arith.constant 0 : index
    %get3A_21 = arith.constant 0 : index
    %get3A_22 = vector.load %arg5[%get3A_20, %get3A_21] : memref<640x128xf32, #tpu.memory_space<vmem>>, vector<640x128xf32>
    %mul3A_23 = vector.broadcast %get3A_19 : vector<640x1xf32> to vector<640x128xf32>
    %mul3A_24 = arith.mulf %mul3A_23, %get3A_22 : vector<640x128xf32>
    %add3A_25 = arith.addf %add3A_16, %mul3A_24 : vector<640x128xf32>
    %swap3A = arith.constant 0 : index
    %swap3A_26 = arith.constant 0 : index
    %swap3A_27 = vector.load %arg8[%swap3A, %swap3A_26] : memref<640x128xf32, #tpu.memory_space<vmem>>, vector<640x128xf32>
    tpu.vector_store %arg8[%swap3A, %swap3A_26], %add3A_25 {strides = array<i32>} : memref<640x128xf32, #tpu.memory_space<vmem>>, vector<640x128xf32>,
    return
  }
  func.func @transform_0(%arg0: i32) -> (i32, i32) {
    %c0_i32 = arith.constant 0 : i32
    %c0_i32_0 = arith.constant 0 : i32
    return %arg0, %c0_i32 : i32, i32
  }
  func.func @transform_1(%arg0: i32) -> (i32, i32) {
    %c0_i32 = arith.constant 0 : i32
    %c0_i32_0 = arith.constant 0 : i32
    return %arg0, %c0_i32 : i32, i32
  }
  func.func @transform_2(%arg0: i32) -> (i32, i32) {
    %c0_i32 = arith.constant 0 : i32
    %c0_i32_0 = arith.constant 0 : i32
    return %arg0, %c0_i32 : i32, i32
  }
  func.func @transform_3(%arg0: i32) -> (i32, i32) {
    %c0_i32 = arith.constant 0 : i32
    %c0_i32_0 = arith.constant 0 : i32
    return %arg0, %c0_i32 : i32, i32
  }
  func.func @transform_4(%arg0: i32) -> (i32, i32) {
    %c0_i32 = arith.constant 0 : i32
    %c0_i32_0 = arith.constant 0 : i32
    return %arg0, %c0_i32 : i32, i32
  }
  func.func @transform_5(%arg0: i32) -> (i32, i32) {
    %c0_i32 = arith.constant 0 : i32
    %c0_i32_0 = arith.constant 0 : i32
    return %arg0, %c0_i32 : i32, i32
  }
  func.func @transform_6(%arg0: i32) -> (i32, i32) {
    %c0_i32 = arith.constant 0 : i32
    %c0_i32_0 = arith.constant 0 : i32
    return %arg0, %c0_i32 : i32, i32
  }
  func.func @transform_7(%arg0: i32) -> (i32, i32) {
    %c0_i32 = arith.constant 0 : i32
    %c0_i32_0 = arith.constant 0 : i32
    return %arg0, %c0_i32 : i32, i32
  }
}

</mosaic_0001>

<sc_bundles>
// kernel: kernel.6.cloned.1.call-start
scs
__scs_entry_jumppad:
0x0: {  	(pc) =	sbr.rel $0x88, $3  }
0x1: {  	(tag) =	ssettag $0x0;
	lr =	simm.s32 $0x1  }
0x2: {  	[smem:$0x3F98] =	sst lr;
	_ =	strace $0xD0000000  }
0x3: {  	_ = 	snop  }
0x4: {  	_ = 	snop  }
0x5: {  	_ = 	snop  }
0x6: {  	_ = 	snop  }
0x7: {  	_ = 	snop  }
__scs_overlays_trampoline_lowered:
0x8: {  	[smem:$0x3FA7] =	sst s0  }
0x9: {  	[smem:$0x3FA8] =	sst s1  }
0xa: {  	[smem:$0x3FA9] =	sst s2  }
0xb: {  	[smem:$0x3FAA] =	sst s3  }
0xc: {  	[smem:$0x3FAB] =	sst s4  }
0xd: {  	[smem:$0x3FAC] =	sst s5  }
0xe: {  	[smem:$0x3FAD] =	sst s6  }
0xf: {  	[smem:$0x3FAE] =	sst s7  }
0x10: {  	[smem:$0x3FAF] =	sst s8  }
0x11: {  	[smem:$0x3FB0] =	sst s9;
	s0 =	simm.s32 @!p0 $0x0  }
0x12: {  	s1 =	sld [smem:$0x3F96];
	s0 =	simm.s32 @p0 $0x1  }
0x13: {  	[smem:$0x3FB1] =	sst s0;
	s0 =	simm.s32 @!p1 $0x0  }
0x14: {  	s2 =	sld [smem:$0x3F95];
	s0 =	simm.s32 @p1 $0x1  }
0x15: {  	[smem:$0x3FB2] =	sst s0;
	s0 =	simm.s32 @!p2 $0x0  }
0x16: {  	s3 =	sld [smem:$0x3FDB];
	s0 =	simm.s32 @p2 $0x1  }
0x17: {  	s4 =	simm.s32 $0x1BF5;
	[smem:$0x3FB4] =	sst s0  }
0x18: {  	s0 =	sld [smem:$0x3F97];
	_ =	swait.ge [sflag:s4], $0x0  }
0x19: {  	s7 =	sld [smem:$0x3F98]  }
0x1a: {  	s8 =	sadd.s32 $0xFFFFE003, lr  }
0x1b: {  	s9 =	sadd.s32 $0xFFFFFEF7, lr;
	s5 =	simm.s32 $0xFFFFFFFF;
	p2 =	slt.u32 s8, $0xFFFFF086  }
0x1c: {  	p1 =	slt.u32 s9, $0xF7A;
	s5 =	simm.s32 @!p2 $0x0  }
0x1d: {  	s5 =	simm.s32 @p1 $0x1;
	p0 =	seq.s32 s7, s2  }
0x1e: {  	s7 =	smul.u32 @!p0 $0xF7A, s2;
	p2 =	seq.s32 @!p0 s5, $0x0  }
0x1f: {  	s9 =	smul.u32 $0xF7A, s1;
	s8 =	simm.s32 @!p0 $0x1BF5;
	p2 =	por !p2, p0  }
0x20: {  	[sflag:s8] =	ssyncset.s32 @!p0 $0xFFFFF086;
	s6 =	sadd.s32 @!p0 s3, s7;
	s7 =	simm.s32 @!p0 $0x108  }
0x21: {  	s3 =	sadd.s32 s3, s9;
	s6 =	sadd.s32 @!p0 $0x88, s6;
	s7 =	simm.s32 @p2 $0x1082  }
0x22: {  	[simem:s7], [sflag:s8] =	dma.local @!p0 [hbm:s6], $0xF7A  }
0x23: {  	s9 =	sor.u32 $0xD0000000, s2;
	s6 =	simm.s32 $0x108;
	_ =	swait.ge @!p0 [sflag:s8], $0x0  }
0x24: {  	s3 =	sadd.s32 $0x88, s3;
	s6 =	simm.s32 @!p1 $0x1082;
	[sflag:s4] =	ssyncset.s32 $0xFFFFF086  }
0x25: {  	[simem:s6], [sflag:s4] =	dma.local [hbm:s3], $0xF7A  }
0x26: {  	[smem:$0x3F98] =	sst s1;
	(tag) =	ssettag s2;
	_ =	strace s9  }
0x27: {  	s1 =	sld [smem:$0x3FA8]  }
0x28: {  	s2 =	sld [smem:$0x3FA9]  }
0x29: {  	s4 =	sld [smem:$0x3FAB]  }
0x2a: {  	p0 =	seq.s32 s5, $0x0;
	s5 =	sld [smem:$0x3FAC]  }
0x2b: {  	s6 =	sld [smem:$0x3FAD]  }
0x2c: {  	s7 =	sld [smem:$0x3FAE]  }
0x2d: {  	s3 =	simm.s32 $0x108;
	s8 =	sld [smem:$0x3FAF]  }
0x2e: {  	s3 =	simm.s32 @!p0 $0x1082;
	s9 =	sld [smem:$0x3FB0]  }
0x2f: {  	lr =	sadd.s32 s0, s3;
	s0 =	sld [smem:$0x3FA7]  }
0x30: {  	s3 =	sld [smem:$0x3FAA]  }
0x31: {  	[smem:$0x3FB3] =	sst s10  }
0x32: {  	s10 =	sld [smem:$0x3FB1];
	_ =	sdelay $0x3  }
0x33: {  	p0 =	seq.s32 s10, $0x1;
	s10 =	sld [smem:$0x3FB3];
	_ =	sdelay $0x3  }
0x34: {  	[smem:$0x3FB3] =	sst s10  }
0x35: {  	s10 =	sld [smem:$0x3FB2];
	_ =	sdelay $0x3  }
0x36: {  	p1 =	seq.s32 s10, $0x1;
	s10 =	sld [smem:$0x3FB3];
	_ =	sdelay $0x3  }
0x37: {  	[smem:$0x3FB3] =	sst s10  }
0x38: {  	s10 =	sld [smem:$0x3FB4]  }
0x39: {  	_ = 	snop;
	(pc) =	sbr.ind lr, $3  }
0x3a: {  	_ = 	snop  }
0x3b: {  	_ = 	snop  }
0x3c: {  	p2 =	seq.s32 s10, $0x1;
	s10 =	sld [smem:$0x3FB3]  }
0x3d: {  	_ =	shalt  }
0x3e: {  	_ =	shalt  }
0x3f: {  	_ =	shalt  }
0x40: {  	_ =	shalt  }
0x41: {  	_ =	shalt  }
0x42: {  	_ =	shalt  }
0x43: {  	_ =	shalt  }
0x44: {  	_ =	shalt  }
0x45: {  	_ =	shalt  }
0x46: {  	_ =	shalt  }
0x47: {  	_ =	shalt  }
0x48: {  	_ =	shalt  }
0x49: {  	_ =	shalt  }
0x4a: {  	_ =	shalt  }
0x4b: {  	_ =	shalt  }
0x4c: {  	_ =	shalt  }
0x4d: {  	_ =	shalt  }
0x4e: {  	_ =	shalt  }
0x4f: {  	_ =	shalt  }
0x50: {  	_ =	shalt  }
0x51: {  	_ =	shalt  }
0x52: {  	_ =	shalt  }
0x53: {  	_ =	shalt  }
0x54: {  	_ =	shalt  }
0x55: {  	_ =	shalt  }
0x56: {  	_ =	shalt  }
0x57: {  	_ =	shalt  }
0x58: {  	_ =	shalt  }
0x59: {  	_ =	shalt  }
0x5a: {  	_ =	shalt  }
0x5b: {  	_ =	shalt  }
0x5c: {  	_ =	shalt  }
0x5d: {  	_ =	shalt  }
0x5e: {  	_ =	shalt  }
0x5f: {  	_ =	shalt  }
0x60: {  	_ =	shalt  }
0x61: {  	_ =	shalt  }
0x62: {  	_ =	shalt  }
0x63: {  	_ =	shalt  }
0x64: {  	_ =	shalt  }
0x65: {  	_ =	shalt  }
0x66: {  	_ =	shalt  }
0x67: {  	_ =	shalt  }
0x68: {  	_ =	shalt  }
0x69: {  	_ =	shalt  }
0x6a: {  	_ =	shalt  }
0x6b: {  	_ =	shalt  }
0x6c: {  	_ =	shalt  }
0x6d: {  	_ =	shalt  }
0x6e: {  	_ =	shalt  }
0x6f: {  	_ =	shalt  }
0x70: {  	_ =	shalt  }
0x71: {  	_ =	shalt  }
0x72: {  	_ =	shalt  }
0x73: {  	_ =	shalt  }
0x74: {  	_ =	shalt  }
0x75: {  	_ =	shalt  }
0x76: {  	_ =	shalt  }
0x77: {  	_ =	shalt  }
0x78: {  	_ =	shalt  }
0x79: {  	_ =	shalt  }
0x7a: {  	_ =	shalt  }
0x7b: {  	_ =	shalt  }
0x7c: {  	_ =	shalt  }
0x7d: {  	_ =	shalt  }
0x7e: {  	_ =	shalt  }
0x7f: {  	_ =	shalt  }
0x80: {  	_ =	shalt  }
0x81: {  	_ =	shalt  }
0x82: {  	_ =	shalt  }
0x83: {  	_ =	shalt  }
0x84: {  	_ =	shalt  }
0x85: {  	_ =	shalt  }
0x86: {  	_ =	shalt  }
0x87: {  	_ =	shalt  }
.Lfunc_end0:
.L_simem_size_0:
called_computation_lowered:
.L_overlay_start_0:
0x88: {  	s2 =	sld [smem:$0x3FD9]  }
0x89: {  	s3 =	sld [smem:$0x3FFE];
	_ =	sdelay $0x1  }
0x8a: {  	s1 =	srdreg.scid  }
0x8b: {  	s0 =	sand.u32 $0x1, s1  }
0x8c: {  	s17 =	sshll.u32 s0, $0xA;
	s2 =	sadd.s32 s3, s2  }
0x8d: {  	s2 =	sadd.s32 s2, s17  }
0x8e: {  	[smem:$0x3FBF] =	sst s2  }
0x8f: {  	_ = 	snop  }
0x90: {  	s2 =	sld [smem:$0x3FD0];
	(tm) =	ssettm $0x1  }
0x91: {  	s18 =	sld [smem:$0x3FFB];
	_ =	sdelay $0x3  }
0x92: {  	_ =	strace s18  }
0x93: {  	s3 =	sld [smem:$0x3FFC];
	_ =	sdelay $0x3  }
0x94: {  	_ =	strace s3  }
0x95: {  	s3 =	sld [smem:$0x3FFD];
	_ =	sdelay $0x3  }
0x96: {  	_ =	strace s3  }
0x97: {  	_ =	strace $0x8FFFFFFF  }
0x98: {  	s19 =	sld [smem:$0x3FDB];
	_ =	sdelay $0x1  }
0x99: {  	s4 =	simm.s32 $_scs_section_size  }
0x9a: {  	s5 =	simm.s32 $_size__tile_overlayer_lowered;
	s6 =	simm.s32 $_tile_overlayer_lowered  }
0x9b: {  	s22 =	simm.s32 $0x1BFF;
	s21 =	sshll.u32 s6, $0x1;
	s3 =	sadd.s32 s4, s19  }
0x9c: {  	s7 =	simm.s32 $0x0;
	s20 =	sshll.u32 s5, $0x1;
	s5 =	sadd.s32 s21, s3  }
0x9d: {  	[timem:s7], [sflag:s22] =	dma.local [hbm:s5], s20  }
0x9e: {  	_ =	swait.ge [sflag:s22], s20  }
0x9f: {  	s4 =	ssub.s32 $0x0, s20;
	[sflag:s22] =	ssyncset.done $0x0  }
0xa0: {  	[sflag:s22] =	ssyncadd.s32 s4;
	_ =	sdelay $0x1  }
0xa1: {  	s23 =	simm.s32 $0x1B8B  }
0xa2: {  	_ =	swait.ge [sflag:s23], $0x1  }
0xa3: {  	[sflag:s23] =	ssyncset.done $0x0  }
0xa4: {  	s25 =	simm.s32 $0x1B8E;
	s24 =	sld [smem:$0x3FFE];
	[sflag:s23] =	ssyncadd.s32 $0xFFFFFFFF  }
0xa5: {  	s26 =	simm.s32 $execute0_lowered;
	[smem:$0x3FD2] =	sst s25  }
0xa6: {  	s5 =	sshll.u32 s26, $0x1;
	_ =	strace $0x80000046;
	[dreg:$0x1] =	wrdreg $0xFFFFFFFF  }
0xa7: {  	s28 =	simm.s32 $_size_execute0_lowered;
	s3 =	sadd.s32 s3, s5;
	[dreg:$0x0] =	wrdreg $0x0  }
0xa8: {  	s5 =	sshll.u32 s28, $0x1;
	[dreg:$0x2] =	wrdreg s3  }
0xa9: {  	[dreg:$0x3] =	wrdreg s5  }
0xaa: {  	[dreg:$0x4] =	wrdreg $0xC0  }
0xab: {  	_ =	task [dreg:s7], $0x5FFFF  }
0xac: {  	[dreg:$0x1] =	wrdreg $0xFFFFFFFF  }
0xad: {  	[dreg:$0x0] =	wrdreg $0x60  }
0xae: {  	[dreg:$0x2] =	wrdreg s24  }
0xaf: {  	[dreg:$0x3] =	wrdreg s2  }
0xb0: {  	[dreg:$0x4] =	wrdreg $0xA8800  }
0xb1: {  	[dreg:$0x5] =	wrdreg $0x1E8800  }
0xb2: {  	[dreg:$0x6] =	wrdreg $0x1EB000  }
0xb3: {  	[dreg:$0x7] =	wrdreg $0x9  }
0xb4: {  	_ =	task.clear_ibuf [dreg:s7], $0x8FFFF;
	_ =	strace $0x90000046  }
0xb5: {  	s29 =	simm.s32 $0x9;
	_ =	strace $0x80000048  }
0xb6: {  	_ =	swait.ge [sflag:s29], $0x1  }
0xb7: {  	[sflag:s29] =	ssyncadd.s32 $0xFFFFFFFF  }
0xb8: {  	_ =	strace $0x90000048  }
0xb9: {  	_ =	sfence  }
0xba: {  	s30 =	sld [smem:$0x0];
	_ =	sdelay $0x2  }
0xbb: {  	s31 =	sshll.u32 s1, $0xD;
	s1 =	sshrl.u32 s1, $0x2  }
0xbc: {  	s3 =	sand.u32 $0x4000, s31;
	s1 =	sadd.s32 s1, s30  }
0xbd: {  	s0 =	sor.u32 s3, s0;
	s1 =	sshll.u32 s1, $0x11  }
0xbe: {  	s0 =	sor.u32 s1, s0  }
0xbf: {  	s0 =	sadd.s32 $0x8F2B, s0  }
0xc0: {  	[sflag:s0] =	ssyncadd.remote.s32 $0x1  }
0xc1: {  	_ =	sfence.sel $0xFFFF  }
0xc2: {  	[dreg:$0x0] =	wrdreg $0xFFFFFFFF;
	(pc) =	sbr.abs _section_cstart, $3  }
0xc3: {  	[dreg:$0x1] =	wrdreg $0xFFFFFFFF  }
0xc4: {  	_ =	task.clear_ibuf [dreg:s7], $0x2FFFF;
	_ =	strace $0x9FFFFFFF  }
0xc5: {  	(tm) =	ssettm $0x7FFFFFFF  }
tec
execute0_lowered:
.L_overlay_start_1:
0x0: {  	(tag) =	ssettag $0x1  }
0x1: {  	s0 =	rddreg [dreg:$0x0]  }
0x2: {  	s1 =	rddreg [dreg:$0x1]  }
0x3: {  	s2 =	rddreg [dreg:$0x2]  }
0x4: {  	s3 =	rddreg [dreg:$0x3]  }
0x5: {  	s4 =	rddreg [dreg:$0x4];
	s18 =	stileid.u32;
	s5 =	simm.s32 $0x0  }
0x6: {  	s6 =	srdreg.scid;
	s28 =	simm.s32 $0x1;
	s8 =	smul.u32 $0x14000, s18  }
0x7: {  	s29 =	simm.s32 $0xA800;
	s30 =	simm.s32 $0x2;
	s9 =	smul.u32 $0x280, s18  }
0x8: {  	s31 =	simm.s32 $0x2780;
	[smem:$0x7FF] =	sst s5;
	s15 =	smul.u32 $0x500, s18  }
0x9: {  	s10 =	sand.u32 $0x1, s6;
	s6 =	sadd.s32 $0x5D400, s0;
	s17 =	smul.u32 $0x50000, s18  }
0xa: {  	s7 =	sadd.s32 $0x3400, s0;
	s13 =	sadd.s32 $0x2B400, s0;
	s11 =	smul.u32 $0x140000, s10  }
0xb: {  	_ =	strace $0x80000047;
	s12 =	smul.u32 $0x5000, s10;
	s24 =	ssub.s32 $0x2, s10  }
0xc: {  	s10 =	sshll.u32 s10, $0x4;
	s14 =	sshrl.u32 s8, $0x3;
	s16 =	sshrl.u32 s9, $0x3  }
0xd: {  	s25 =	sshrl.u32 s24, $0x1;
	s26 =	sor.u32 s18, s10;
	s20 =	sadd.s32 s9, s3  }
0xe: {  	s9 =	sadd.s32 s9, s4;
	s14 =	sadd.s32 s14, s0;
	s8 =	sadd.s32 s8, s11  }
0xf: {  	s23 =	sadd.s32 s16, s0;
	s12 =	sadd.s32 s15, s12;
	s16 =	sshrl.u32 s17, $0x2  }
0x10: {  	s17 =	sshll.u32 s18, $0x6;
	s18 =	smul.u32 $0x2800, s26;
	[dreg:$0x8] =	wrdreg s20  }
0x11: {  	s15 =	ssub.s32 s24, s25;
	s21 =	smul.u32 $0x500, s26;
	[dreg:$0x9] =	wrdreg s9  }
0x12: {  	s9 =	simm.s32 $0x0;
	s8 =	sshrl.u32 s8, $0x3;
	s10 =	sadd.s32 s16, s2  }
0x13: {  	s12 =	sshrl.u32 s12, $0x3;
	s19 =	sadd.s32 $0xD5A00, s14;
	[dreg:$0x6] =	wrdreg s10  }
0x14: {  	s8 =	sadd.s32 s8, s0;
	s0 =	sadd.s32 s12, s0;
	[dreg:$0x7] =	wrdreg s19  }
0x15: {  	s10 =	sor.u32 $0x1C03, s17;
	s22 =	sshrl.u32 s18, $0x3;
	s12 =	sadd.s32 $0xD5400, s23  }
0x16: {  	s24 =	sadd.s32 s13, s21;
	s25 =	sadd.s32 s1, s21;
	s21 =	smax.u32 s15, $0x1  }
0x17: {  	s23 =	sadd.s32 $0x280, s22;
	[dreg:$0xa] =	wrdreg s24;
	s18 =	sadd.s32 $0xFDA00, s8  }
0x18: {  	[dreg:$0xb] =	wrdreg s25;
	s19 =	sadd.s32 $0x14DA00, s0;
	s20 =	sadd.s32 $0x14DA10, s0  }
0x19: {  	s22 =	simm.s32 $0x3;
	s24 =	simm.s32 $0x80;
	s25 =	simm.s32 $0x2800  }
0x1a: {  	s0 =	simm.s32 $0x1380;
	s8 =	simm.s32 $0x10;
	s26 =	sadd.s32 s13, s23  }
0x1b: {  	s1 =	sadd.s32 s1, s23;
	s23 =	simm.s32 $0x1400;
	[dreg:$0xc] =	wrdreg s26  }
0x1c: {  	v0 =	vimm.f32 $1.000000000e+00;
	[dreg:$0xd] =	wrdreg s1;
	s26 =	simm.s32 $0x6800;
	s1 =	simm.s32 $0x20  }
.LBB2_1:
0x1d: {  	s11 =	rddreg [dreg:$0x6]  }
0x1e: {  	s13 =	rddreg [dreg:$0x7];
	s11 =	sshrl.u32 s11, $0x3  }
0x1f: {  	[spmem:s11], [sflag:s10] =	dma.local [hbm:s13], $0x2800  }
0x20: {  	_ =	swait.ge [sflag:s22], $0x2800  }
0x21: {  	[sflag:s22] =	ssyncset.done $0x0;
	s15 =	rddreg [dreg:$0x8]  }
0x22: {  	[sflag:s22] =	ssyncadd.s32 $0xFFFFD800;
	s13 =	sshrl.u32 s15, $0x3  }
0x23: {  	[spmem:s13], [sflag:s10] =	dma.local [hbm:s12], $0x50  }
0x24: {  	_ =	swait.ge [sflag:s22], $0x50  }
0x25: {  	[sflag:s22] =	ssyncset.done $0x0;
	s14 =	rddreg [dreg:$0x9]  }
0x26: {  	[sflag:s22] =	ssyncadd.s32 $0xFFFFFFB0;
	s14 =	sshrl.u32 s14, $0x3  }
0x27: {  	[spmem:s14], [sflag:s10] =	dma.local [hbm:s12], $0x50  }
0x28: {  	_ =	swait.ge [sflag:s22], $0x50  }
0x29: {  	[sflag:s22] =	ssyncset.done $0x0  }
0x2a: {  	[sflag:s22] =	ssyncadd.s32 $0xFFFFFFB0  }
0x2b: {  	[tilespmem:$0xA800] =	vst v0  }
0x2c: {  	[tilespmem:$0xA810] =	vst v0  }
0x2d: {  	[tilespmem:$0xA820] =	vst v0  }
0x2e: {  	[tilespmem:$0xA830] =	vst v0  }
0x2f: {  	[tilespmem:$0xA840] =	vst v0  }
0x30: {  	[tilespmem:$0xA850] =	vst v0  }
0x31: {  	[tilespmem:$0xA860] =	vst v0  }
0x32: {  	[tilespmem:$0xA870] =	vst v0  }
0x33: {  	[bflag:$0x0] =	sbarrier.arrive $0xFFFF  }
0x34: {  	s15 =	rddreg [dreg:$0xa]  }
0x35: {  	[tilespmem:s5], [sflag:$0x3] =	stream.linear.gather [hbm4b:s15+s5], $0x1400, $0x38;
	[tilespmem:$0x1ED80] =	vst v63  }
0x36: {  	_ =	swait.ge [sflag:s22], $0x1400  }
0x37: {  	[sflag:s22] =	ssyncset.done $0x0  }
0x38: {  	s16 =	rddreg [dreg:$0xb];
	[sflag:s22] =	ssyncadd.s32 $0xFFFFEC00  }
0x39: {  	[tilespmem:s23], [sflag:$0x3] =	stream.linear.gather [hbm4b:s16+s5], $0x1400, $0x38;
	[tilespmem:$0x1ED80] =	vst v63  }
0x3a: {  	_ =	swait.ge [sflag:s22], $0x1400  }
0x3b: {  	[sflag:s22] =	ssyncset.done $0x0  }
0x3c: {  	[sflag:s22] =	ssyncadd.s32 $0xFFFFEC00  }
0x3d: {  	[tilespmem:s25], [sflag:$0x1] =	stream.indirect.gather [hbm4b:s6+s24], $0x80, s5, s24, $0xb8;
	[tilespmem:$0x1ED80] =	vst v63  }
0x3e: {  	_ = 	snop  }
0x3f: {  	[tilespmem:s26], [sflag:$0x2] =	stream.indirect.gather [hbm4b:s7+s24], $0x80, s23, s24, $0xb8;
	[tilespmem:$0x1ED80] =	vst v63  }
0x40: {  	_ =	swait.ge [sflag:s28], $0x4000  }
0x41: {  	[sflag:s28] =	ssyncset.done $0x0  }
0x42: {  	s17 =	simm.s32 $0x1400;
	[sflag:s28] =	ssyncadd.s32 $0xFFFFC000  }
0x43: {  	[spmem:s2] =	stream.indirect.scatter.add.f32 [tilespmem:s25], [sflag:$0x3], $0x80, s17, s24, $0xb8;
	[tilespmem:$0x1ED80] =	vst v63  }
0x44: {  	_ =	swait.ge [sflag:s22], $0x4000  }
0x45: {  	[sflag:s22] =	ssyncset.done $0x0  }
0x46: {  	[sflag:s22] =	ssyncadd.s32 $0xFFFFC000  }
0x47: {  	[spmem:s3] =	stream.indirect.scatter.add.f32 [tilespmem:s29], [sflag:$0x3], $0x1, s17, s24, $0xb8;
	[tilespmem:$0x1ED80] =	vst v63  }
0x48: {  	_ =	swait.ge [sflag:s22], $0x80  }
0x49: {  	[sflag:s22] =	ssyncset.done $0x0  }
0x4a: {  	s16 =	simm.s32 $0x80;
	[sflag:s22] =	ssyncadd.s32 $0xFFFFFF80  }
0x4b: {  	[tilespmem:s25], [sflag:$0x1] =	stream.indirect.gather [hbm4b:s6+s24], $0x80, s16, s24, $0xb8;
	[tilespmem:$0x1ED80] =	vst v63  }
0x4c: {  	_ =	swait.ge [sflag:s30], $0x4000  }
0x4d: {  	[sflag:s30] =	ssyncset.done $0x0  }
0x4e: {  	s17 =	simm.s32 $0x0;
	[sflag:s30] =	ssyncadd.s32 $0xFFFFC000  }
0x4f: {  	[spmem:s2] =	stream.indirect.scatter.add.f32 [tilespmem:s26], [sflag:$0x3], $0x80, s17, s24, $0xb8;
	[tilespmem:$0x1ED80] =	vst v63  }
0x50: {  	_ =	swait.ge [sflag:s22], $0x4000  }
0x51: {  	[sflag:s22] =	ssyncset.done $0x0  }
0x52: {  	[sflag:s22] =	ssyncadd.s32 $0xFFFFC000  }
0x53: {  	[spmem:s4] =	stream.indirect.scatter.add.f32 [tilespmem:s29], [sflag:$0x3], $0x1, s17, s24, $0xb8;
	[tilespmem:$0x1ED80] =	vst v63  }
0x54: {  	_ =	swait.ge [sflag:s22], $0x80  }
0x55: {  	[sflag:s22] =	ssyncset.done $0x0  }
0x56: {  	s15 =	simm.s32 $0x200;
	s16 =	simm.s32 $0x1480;
	[sflag:s22] =	ssyncadd.s32 $0xFFFFFF80  }
.LBB2_2:
0x57: {  	[tilespmem:s26], [sflag:$0x2] =	stream.indirect.gather [hbm4b:s7+s24], $0x80, s16, s24, $0xb8;
	[tilespmem:$0x1ED80] =	vst v63  }
0x58: {  	s16 =	smov.u32 s15  }
0x59: {  	p0 =	sne.s32 s15, $0x4C00;
	s15 =	sadd.s32 $0x200, s15;
	_ =	swait.ge [sflag:s28], $0x4000  }
0x5a: {  	s16 =	sshra.s32 s16, $0x2;
	[sflag:s28] =	ssyncset.done $0x0  }
0x5b: {  	s17 =	sadd.s32 $0x1400, s16;
	[sflag:s28] =	ssyncadd.s32 $0xFFFFC000  }
0x5c: {  	[spmem:s2] =	stream.indirect.scatter.add.f32 [tilespmem:s25], [sflag:$0x3], $0x80, s17, s24, $0xb8;
	[tilespmem:$0x1ED80] =	vst v63  }
0x5d: {  	_ =	swait.ge [sflag:s22], $0x4000  }
0x5e: {  	[sflag:s22] =	ssyncset.done $0x0  }
0x5f: {  	[sflag:s22] =	ssyncadd.s32 $0xFFFFC000  }
0x60: {  	[spmem:s3] =	stream.indirect.scatter.add.f32 [tilespmem:s29], [sflag:$0x3], $0x1, s17, s24, $0xb8;
	[tilespmem:$0x1ED80] =	vst v63  }
0x61: {  	_ =	swait.ge [sflag:s22], $0x80  }
0x62: {  	[sflag:s22] =	ssyncset.done $0x0  }
0x63: {  	s17 =	sadd.s32 $0x80, s16;
	[sflag:s22] =	ssyncadd.s32 $0xFFFFFF80  }
0x64: {  	[tilespmem:s25], [sflag:$0x1] =	stream.indirect.gather [hbm4b:s6+s24], $0x80, s17, s24, $0xb8;
	[tilespmem:$0x1ED80] =	vst v63  }
0x65: {  	_ =	swait.ge [sflag:s30], $0x4000  }
0x66: {  	[sflag:s30] =	ssyncset.done $0x0  }
0x67: {  	[sflag:s30] =	ssyncadd.s32 $0xFFFFC000  }
0x68: {  	[spmem:s2] =	stream.indirect.scatter.add.f32 [tilespmem:s26], [sflag:$0x3], $0x80, s16, s24, $0xb8;
	[tilespmem:$0x1ED80] =	vst v63  }
0x69: {  	_ =	swait.ge [sflag:s22], $0x4000  }
0x6a: {  	[sflag:s22] =	ssyncset.done $0x0  }
.Ltmp0:
0x6b: {  	[sflag:s22] =	ssyncadd.s32 $0xFFFFC000;
	(pc) =	sbr.rel @p0 .LBB2_2-.Ltmp0, $4  }
0x6c: {  	[spmem:s4] =	stream.indirect.scatter.add.f32 [tilespmem:s29], [sflag:$0x3], $0x1, s16, s24, $0xb8;
	[tilespmem:$0x1ED80] =	vst v63  }
0x6d: {  	_ =	swait.ge [sflag:s22], $0x80  }
0x6e: {  	[sflag:s22] =	ssyncset.done $0x0  }
0x6f: {  	s16 =	sadd.s32 $0x1480, s16;
	[sflag:s22] =	ssyncadd.s32 $0xFFFFFF80  }
0x70: {  	[tilespmem:s26], [sflag:$0x2] =	stream.indirect.gather [hbm4b:s7+s24], $0x80, s16, s24, $0xb8;
	[tilespmem:$0x1ED80] =	vst v63  }
0x71: {  	_ =	swait.ge [sflag:s28], $0x4000  }
0x72: {  	[sflag:s28] =	ssyncset.done $0x0  }
0x73: {  	[sflag:s28] =	ssyncadd.s32 $0xFFFFC000  }
0x74: {  	[spmem:s2] =	stream.indirect.scatter.add.f32 [tilespmem:s25], [sflag:$0x3], $0x80, s31, s24, $0xb8;
	[tilespmem:$0x1ED80] =	vst v63  }
0x75: {  	_ =	swait.ge [sflag:s22], $0x4000  }
0x76: {  	[sflag:s22] =	ssyncset.done $0x0  }
0x77: {  	[sflag:s22] =	ssyncadd.s32 $0xFFFFC000  }
0x78: {  	[spmem:s3] =	stream.indirect.scatter.add.f32 [tilespmem:s29], [sflag:$0x3], $0x1, s31, s24, $0xb8;
	[tilespmem:$0x1ED80] =	vst v63  }
0x79: {  	_ =	swait.ge [sflag:s22], $0x80  }
0x7a: {  	[sflag:s22] =	ssyncset.done $0x0  }
0x7b: {  	[sflag:s22] =	ssyncadd.s32 $0xFFFFFF80  }
0x7c: {  	_ =	swait.ge [sflag:s30], $0x4000  }
0x7d: {  	[sflag:s30] =	ssyncset.done $0x0  }
0x7e: {  	[sflag:s30] =	ssyncadd.s32 $0xFFFFC000  }
0x7f: {  	[spmem:s2] =	stream.indirect.scatter.add.f32 [tilespmem:s26], [sflag:$0x3], $0x80, s0, s24, $0xb8;
	[tilespmem:$0x1ED80] =	vst v63  }
0x80: {  	_ =	swait.ge [sflag:s22], $0x4000  }
0x81: {  	[sflag:s22] =	ssyncset.done $0x0  }
0x82: {  	[sflag:s22] =	ssyncadd.s32 $0xFFFFC000  }
0x83: {  	[spmem:s4] =	stream.indirect.scatter.add.f32 [tilespmem:s29], [sflag:$0x3], $0x1, s0, s24, $0xb8;
	[tilespmem:$0x1ED80] =	vst v63  }
0x84: {  	_ =	swait.ge [sflag:s22], $0x80  }
0x85: {  	[sflag:s22] =	ssyncset.done $0x0  }
0x86: {  	s15 =	simm.s32 $0x0;
	s17 =	rddreg [dreg:$0xc];
	[sflag:s22] =	ssyncadd.s32 $0xFFFFFF80  }
0x87: {  	[tilespmem:s15], [sflag:$0x3] =	stream.linear.gather [hbm4b:s17+s15], $0x1400, $0x38;
	[tilespmem:$0x1ED80] =	vst v63  }
0x88: {  	_ =	swait.ge [sflag:s22], $0x1400  }
0x89: {  	[sflag:s22] =	ssyncset.done $0x0  }
0x8a: {  	s17 =	rddreg [dreg:$0xd];
	[sflag:s22] =	ssyncadd.s32 $0xFFFFEC00  }
0x8b: {  	[tilespmem:s23], [sflag:$0x3] =	stream.linear.gather [hbm4b:s17+s15], $0x1400, $0x38;
	[tilespmem:$0x1ED80] =	vst v63  }
0x8c: {  	_ =	swait.ge [sflag:s22], $0x1400  }
0x8d: {  	[sflag:s22] =	ssyncset.done $0x0  }
0x8e: {  	[sflag:s22] =	ssyncadd.s32 $0xFFFFEC00  }
0x8f: {  	[tilespmem:s25], [sflag:$0x1] =	stream.indirect.gather [hbm4b:s6+s24], $0x80, s15, s24, $0xb8;
	[tilespmem:$0x1ED80] =	vst v63  }
0x90: {  	_ = 	snop  }
0x91: {  	[tilespmem:s26], [sflag:$0x2] =	stream.indirect.gather [hbm4b:s7+s24], $0x80, s23, s24, $0xb8;
	[tilespmem:$0x1ED80] =	vst v63  }
0x92: {  	_ =	swait.ge [sflag:s28], $0x4000  }
0x93: {  	[sflag:s28] =	ssyncset.done $0x0  }
0x94: {  	s17 =	simm.s32 $0x1400;
	[sflag:s28] =	ssyncadd.s32 $0xFFFFC000  }
0x95: {  	[spmem:s2] =	stream.indirect.scatter.add.f32 [tilespmem:s25], [sflag:$0x3], $0x80, s17, s24, $0xb8;
	[tilespmem:$0x1ED80] =	vst v63  }
0x96: {  	_ =	swait.ge [sflag:s22], $0x4000  }
0x97: {  	[sflag:s22] =	ssyncset.done $0x0  }
0x98: {  	[sflag:s22] =	ssyncadd.s32 $0xFFFFC000  }
0x99: {  	[spmem:s3] =	stream.indirect.scatter.add.f32 [tilespmem:s29], [sflag:$0x3], $0x1, s17, s24, $0xb8;
	[tilespmem:$0x1ED80] =	vst v63  }
0x9a: {  	_ =	swait.ge [sflag:s22], $0x80  }
0x9b: {  	[sflag:s22] =	ssyncset.done $0x0  }
0x9c: {  	s16 =	simm.s32 $0x80;
	[sflag:s22] =	ssyncadd.s32 $0xFFFFFF80  }
0x9d: {  	[tilespmem:s25], [sflag:$0x1] =	stream.indirect.gather [hbm4b:s6+s24], $0x80, s16, s24, $0xb8;
	[tilespmem:$0x1ED80] =	vst v63  }
0x9e: {  	_ =	swait.ge [sflag:s30], $0x4000  }
0x9f: {  	[sflag:s30] =	ssyncset.done $0x0  }
0xa0: {  	s17 =	simm.s32 $0x0;
	[sflag:s30] =	ssyncadd.s32 $0xFFFFC000  }
0xa1: {  	[spmem:s2] =	stream.indirect.scatter.add.f32 [tilespmem:s26], [sflag:$0x3], $0x80, s17, s24, $0xb8;
	[tilespmem:$0x1ED80] =	vst v63  }
0xa2: {  	_ =	swait.ge [sflag:s22], $0x4000  }
0xa3: {  	[sflag:s22] =	ssyncset.done $0x0  }
0xa4: {  	[sflag:s22] =	ssyncadd.s32 $0xFFFFC000  }
0xa5: {  	[spmem:s4] =	stream.indirect.scatter.add.f32 [tilespmem:s29], [sflag:$0x3], $0x1, s17, s24, $0xb8;
	[tilespmem:$0x1ED80] =	vst v63  }
0xa6: {  	_ =	swait.ge [sflag:s22], $0x80  }
0xa7: {  	[sflag:s22] =	ssyncset.done $0x0  }
0xa8: {  	s15 =	simm.s32 $0x200;
	s16 =	simm.s32 $0x1480;
	[sflag:s22] =	ssyncadd.s32 $0xFFFFFF80  }
.LBB2_4:
0xa9: {  	[tilespmem:s26], [sflag:$0x2] =	stream.indirect.gather [hbm4b:s7+s24], $0x80, s16, s24, $0xb8;
	[tilespmem:$0x1ED80] =	vst v63  }
0xaa: {  	s16 =	smov.u32 s15  }
0xab: {  	p0 =	sne.s32 s15, $0x4C00;
	s15 =	sadd.s32 $0x200, s15;
	_ =	swait.ge [sflag:s28], $0x4000  }
0xac: {  	s16 =	sshra.s32 s16, $0x2;
	[sflag:s28] =	ssyncset.done $0x0  }
0xad: {  	s17 =	sadd.s32 $0x1400, s16;
	[sflag:s28] =	ssyncadd.s32 $0xFFFFC000  }
0xae: {  	[spmem:s2] =	stream.indirect.scatter.add.f32 [tilespmem:s25], [sflag:$0x3], $0x80, s17, s24, $0xb8;
	[tilespmem:$0x1ED80] =	vst v63  }
0xaf: {  	_ =	swait.ge [sflag:s22], $0x4000  }
0xb0: {  	[sflag:s22] =	ssyncset.done $0x0  }
0xb1: {  	[sflag:s22] =	ssyncadd.s32 $0xFFFFC000  }
0xb2: {  	[spmem:s3] =	stream.indirect.scatter.add.f32 [tilespmem:s29], [sflag:$0x3], $0x1, s17, s24, $0xb8;
	[tilespmem:$0x1ED80] =	vst v63  }
0xb3: {  	_ =	swait.ge [sflag:s22], $0x80  }
0xb4: {  	[sflag:s22] =	ssyncset.done $0x0  }
0xb5: {  	s17 =	sadd.s32 $0x80, s16;
	[sflag:s22] =	ssyncadd.s32 $0xFFFFFF80  }
0xb6: {  	[tilespmem:s25], [sflag:$0x1] =	stream.indirect.gather [hbm4b:s6+s24], $0x80, s17, s24, $0xb8;
	[tilespmem:$0x1ED80] =	vst v63  }
0xb7: {  	_ =	swait.ge [sflag:s30], $0x4000  }
0xb8: {  	[sflag:s30] =	ssyncset.done $0x0  }
0xb9: {  	[sflag:s30] =	ssyncadd.s32 $0xFFFFC000  }
0xba: {  	[spmem:s2] =	stream.indirect.scatter.add.f32 [tilespmem:s26], [sflag:$0x3], $0x80, s16, s24, $0xb8;
	[tilespmem:$0x1ED80] =	vst v63  }
0xbb: {  	_ =	swait.ge [sflag:s22], $0x4000  }
0xbc: {  	[sflag:s22] =	ssyncset.done $0x0  }
.Ltmp1:
0xbd: {  	[sflag:s22] =	ssyncadd.s32 $0xFFFFC000;
	(pc) =	sbr.rel @p0 .LBB2_4-.Ltmp1, $4  }
0xbe: {  	[spmem:s4] =	stream.indirect.scatter.add.f32 [tilespmem:s29], [sflag:$0x3], $0x1, s16, s24, $0xb8;
	[tilespmem:$0x1ED80] =	vst v63  }
0xbf: {  	_ =	swait.ge [sflag:s22], $0x80  }
0xc0: {  	[sflag:s22] =	ssyncset.done $0x0  }
0xc1: {  	s16 =	sadd.s32 $0x1480, s16;
	[sflag:s22] =	ssyncadd.s32 $0xFFFFFF80  }
0xc2: {  	[tilespmem:s26], [sflag:$0x2] =	stream.indirect.gather [hbm4b:s7+s24], $0x80, s16, s24, $0xb8;
	[tilespmem:$0x1ED80] =	vst v63  }
0xc3: {  	_ =	swait.ge [sflag:s28], $0x4000  }
0xc4: {  	[sflag:s28] =	ssyncset.done $0x0  }
0xc5: {  	[sflag:s28] =	ssyncadd.s32 $0xFFFFC000  }
0xc6: {  	[spmem:s2] =	stream.indirect.scatter.add.f32 [tilespmem:s25], [sflag:$0x3], $0x80, s31, s24, $0xb8;
	[tilespmem:$0x1ED80] =	vst v63  }
0xc7: {  	_ =	swait.ge [sflag:s22], $0x4000  }
0xc8: {  	[sflag:s22] =	ssyncset.done $0x0  }
0xc9: {  	[sflag:s22] =	ssyncadd.s32 $0xFFFFC000  }
0xca: {  	[spmem:s3] =	stream.indirect.scatter.add.f32 [tilespmem:s29], [sflag:$0x3], $0x1, s31, s24, $0xb8;
	[tilespmem:$0x1ED80] =	vst v63  }
0xcb: {  	_ =	swait.ge [sflag:s22], $0x80  }
0xcc: {  	[sflag:s22] =	ssyncset.done $0x0  }
0xcd: {  	[sflag:s22] =	ssyncadd.s32 $0xFFFFFF80  }
0xce: {  	_ =	swait.ge [sflag:s30], $0x4000  }
0xcf: {  	[sflag:s30] =	ssyncset.done $0x0  }
0xd0: {  	[sflag:s30] =	ssyncadd.s32 $0xFFFFC000  }
0xd1: {  	[spmem:s2] =	stream.indirect.scatter.add.f32 [tilespmem:s26], [sflag:$0x3], $0x80, s0, s24, $0xb8;
	[tilespmem:$0x1ED80] =	vst v63  }
0xd2: {  	_ =	swait.ge [sflag:s22], $0x4000  }
0xd3: {  	[sflag:s22] =	ssyncset.done $0x0  }
0xd4: {  	[sflag:s22] =	ssyncadd.s32 $0xFFFFC000  }
0xd5: {  	[spmem:s4] =	stream.indirect.scatter.add.f32 [tilespmem:s29], [sflag:$0x3], $0x1, s0, s24, $0xb8;
	[tilespmem:$0x1ED80] =	vst v63  }
0xd6: {  	_ =	swait.ge [sflag:s22], $0x80  }
0xd7: {  	[sflag:s22] =	ssyncset.done $0x0  }
0xd8: {  	[sflag:s22] =	ssyncadd.s32 $0xFFFFFF80  }
0xd9: {  	[bflag:$0x0] =	sbarrier.arrive $0xFFFF  }
0xda: {  	[hbm:s18], [sflag:s10] =	dma.local [spmem:s11], $0x2800  }
0xdb: {  	_ =	swait.ge [sflag:s22], $0x2800  }
0xdc: {  	[sflag:s22] =	ssyncset.done $0x0  }
0xdd: {  	[sflag:s22] =	ssyncadd.s32 $0xFFFFD800  }
0xde: {  	[hbm:s19@s1], [sflag:s10] =	dma.strided [spmem:s13@s8], $0x50, s28, $0x10   }
0xdf: {  	s9 =	sadd.s32 $0x1, s9;
	_ =	swait.ge [sflag:s22], $0x50  }
0xe0: {  	p0 =	sne.s32 s9, s21;
	[sflag:s22] =	ssyncset.done $0x0  }
.Ltmp2:
0xe1: {  	[sflag:s22] =	ssyncadd.s32 $0xFFFFFFB0;
	(pc) =	sbr.rel @p0 .LBB2_1-.Ltmp2, $4  }
0xe2: {  	[hbm:s20@s1], [sflag:s10] =	dma.strided [spmem:s14@s8], $0x50, s28, $0x10   }
0xe3: {  	_ =	swait.ge [sflag:s22], $0x50  }
0xe4: {  	[sflag:s22] =	ssyncset.done $0x0  }
0xe5: {  	[sflag:s22] =	ssyncadd.s32 $0xFFFFFFB0  }
0xe6: {  	_ =	sfence.sel $0x180000  }
0xe7: {  	[bflag:$0x0] =	sbarrier.arrive $0xFFFF  }
0xe8: {  	_ =	strace $0x90000047  }
0xe9: {  	s0 =	stileid.u32;
	[bflag:$0x2] =	sbarrier.arrive $0xFFFF  }
0xea: {  	p0 =	sne.s32 s0, $0x0;
	s0 =	rddreg [dreg:$0x5]  }
0xeb: {  	s0 =	sadd.s32 @!p0 $0x100000, s0  }
0xec: {  	[sflag:s0] =	ssyncadd.tile.s32 @!p0 $0x1;
	_ =	shalt  }
.Lfunc_end2:
_tile_overlayer_lowered:
.L_overlay_start_2:
0xed: {  	(tag) =	ssettag $0x2  }
0xee: {  	s0 =	rddreg [dreg:$0x0];
	s2 =	stileid.u32  }
0xef: {  	s1 =	rddreg [dreg:$0x1];
	p0 =	sne.s32 s2, $0x0  }
0xf0: {  	s3 =	rddreg [dreg:$0x2];
	[bflag:$0x3] =	sbarrier.arrive $0xFFFF;
	s2 =	simm.s32 @!p0 $0x1C03  }
0xf1: {  	[timem:s3], [sflag:s2] =	dma.local @!p0 [hbm:s0], s1  }
0xf2: {  	s0 =	simm.s32 @!p0 $0x3  }
0xf3: {  	_ =	swait.ge @!p0 [sflag:s0], s1  }
0xf4: {  	s1 =	ssub.s32 @!p0 $0x0, s1;
	[sflag:s0] =	ssyncset.done @!p0 $0x0  }
0xf5: {  	[sflag:s0] =	ssyncadd.s32 @!p0 s1  }
0xf6: {  	[bflag:$0x3] =	sbarrier.arrive $0xFFFF  }
0xf7: {  	_ =	shalt  }

</sc_bundles>
